<compile_context>
chip_gen: v7x
topology: tpu7x:2x2x1
jax: 0.10.2.dev20260603
libtpu: 0.0.44.dev20260713+nightly
codegen_flags: <defaults>
</compile_context>

<pallas_src>
import jax
import jax.numpy as jnp
from jax import lax
from jax.experimental import pallas as pl
from jax.experimental.pallas import tpu as pltpu
from jax.experimental.pallas import tpu_sc as plsc

SIGMA = 0.2
T = 4096
ROWS = 64 * 128
NC = 2
NS = 16
NW = NC * NS
ROWS_PER_W = ROWS // NW
R = 4
N_CHUNK = ROWS_PER_W // R
N_GRP = T // 16
IN_DEPTH = 4
OUT_DEPTH = 2


def _body(
    x_hbm, idx_hbm, out_hbm,
    idx_v, i0, i1, i2, i3, o0, o1,
    is0, is1, is2, is3, os0, os1,
):
    c = lax.axis_index("c")
    s = lax.axis_index("s")
    wid = s * NC + c

    def row_of(ci):
        return (ci * NW + wid) * R

    ibufs = ((i0, is0), (i1, is1), (i2, is2), (i3, is3))
    obufs = ((o0, os0), (o1, os1))

    for j, (in_v, isem) in enumerate(ibufs):
        pltpu.async_copy(x_hbm.at[pl.ds(row_of(j), R)], in_v, isem)
    pltpu.sync_copy(idx_hbm, idx_v)

    @pl.loop(0, N_CHUNK, step=IN_DEPTH)
    def chunk(i):
        for k, (in_v, isem) in enumerate(ibufs):
            ci = i + k
            rb = row_of(ci)
            out_v, osem = obufs[k % OUT_DEPTH]

            pltpu.make_async_copy(x_hbm.at[pl.ds(rb, R)], in_v, isem).wait()

            @pl.when(ci >= OUT_DEPTH)
            def _():
                pltpu.make_async_copy(
                    out_v, out_hbm.at[pl.ds(row_of(ci - OUT_DEPTH), R)], osem
                ).wait()

            @plsc.parallel_loop(0, N_GRP, 1, unroll=4)
            def grp(g):
                iv = idx_v[pl.ds(g * 16, 16)]
                for r in range(R):
                    rv = jnp.full((16,), r, dtype=jnp.int32)
                    vals = plsc.load_gather(in_v, [rv, iv])
                    out_v[r, pl.ds(g * 16, 16)] = vals

            pltpu.async_copy(out_v, out_hbm.at[pl.ds(rb, R)], osem)

            nxt = ci + IN_DEPTH

            @pl.when(nxt < N_CHUNK)
            def _():
                pltpu.async_copy(
                    x_hbm.at[pl.ds(row_of(nxt), R)], in_v, isem
                )

    pltpu.make_async_copy(
        o0, out_hbm.at[pl.ds(row_of(N_CHUNK - 2), R)], os0
    ).wait()
    pltpu.make_async_copy(
        o1, out_hbm.at[pl.ds(row_of(N_CHUNK - 1), R)], os1
    ).wait()


def _make_kernel(interpret=False):
    mesh = plsc.VectorSubcoreMesh(
        core_axis_name="c", subcore_axis_name="s", num_cores=NC, num_subcores=NS
    )
    return pl.kernel(
        _body,
        out_type=jax.ShapeDtypeStruct((ROWS, T), jnp.float32),
        mesh=mesh,
        scratch_types=[
            pltpu.VMEM((T,), jnp.int32),
            pltpu.VMEM((R, T), jnp.float32),
            pltpu.VMEM((R, T), jnp.float32),
            pltpu.VMEM((R, T), jnp.float32),
            pltpu.VMEM((R, T), jnp.float32),
            pltpu.VMEM((R, T), jnp.float32),
            pltpu.VMEM((R, T), jnp.float32),
            pltpu.SemaphoreType.DMA,
            pltpu.SemaphoreType.DMA,
            pltpu.SemaphoreType.DMA,
            pltpu.SemaphoreType.DMA,
            pltpu.SemaphoreType.DMA,
            pltpu.SemaphoreType.DMA,
        ],
        interpret=interpret,
        compiler_params=pltpu.CompilerParams(needs_layout_passes=False),
    )


def _warp_indices():
    wkey = jax.random.fold_in(jax.random.key(0), 1)
    warp = jnp.cumsum(jax.random.normal(wkey, (T,), dtype=jnp.float32) * SIGMA)
    warp = (warp - warp.min()) / (warp.max() - warp.min()) * (T - 1)
    return jnp.clip(warp.astype(jnp.int32), 0, T - 1)


@jax.jit
def kernel(x):
    idx = _warp_indices()
    out = _make_kernel()(x.reshape(ROWS, T), idx)
    return out.reshape(x.shape)

# --- scband reference (transcript-rebuilt; emitter-appended) ---
"""Pipeline reference for scband-random-time-warping-86947317940579 (READ-ONLY COPY).

The authoritative reference and input builder live on the scoring server;
editing this copy changes nothing except your own understanding.
"""

import jax, jax.numpy as jnp
import numpy as np

SIGMA = 0.2
P = 1.0  # always apply warp for determinism


def setup_inputs(seed: int = 0) -> dict:
    key = jax.random.key(seed)
    x = jax.random.normal(key, (64, 128, 4096), dtype=jnp.float32)
    return {"x": x}


def reference(x):
    # Faithful translation of RandomTimeWarping.forward with p=1.0 and the
    # np.random draws replaced by a deterministic jax.random stream.
    time_steps = x.shape[-1]
    wkey = jax.random.fold_in(jax.random.key(0), 1)
    warp = jnp.cumsum(jax.random.normal(wkey, (time_steps,), dtype=jnp.float32) * SIGMA)
    warp = (warp - warp.min()) / (warp.max() - warp.min()) * (time_steps - 1)
    indices = jnp.clip(warp.astype(jnp.int32), 0, time_steps - 1)
    # x[..., indices] -> gather along last axis
    return jnp.take(x, indices, axis=-1)

if __name__ == "__main__":
    import jax
    _d = setup_inputs()
    print(jax.jit(kernel)(*tuple(_d.values())))

</pallas_src>

<mosaic_0001>
#map = affine_map<(d0, d1) -> (0, 0)>
#map1 = affine_map<(d0, d1) -> (0)>
module attributes {stable_mosaic.version = 14 : i64} {
  func.func @_body(%arg0: i32, %arg1: i32, %arg2: memref<8192x4096xf32, #tpu.memory_space<hbm>>, %arg3: memref<4096xi32, #tpu.memory_space<hbm>>, %arg4: memref<8192x4096xf32, #tpu.memory_space<hbm>>, %arg5: memref<4096xi32, #tpu.memory_space<vmem>>, %arg6: memref<4x4096xf32, #tpu.memory_space<vmem>>, %arg7: memref<4x4096xf32, #tpu.memory_space<vmem>>, %arg8: memref<4x4096xf32, #tpu.memory_space<vmem>>, %arg9: memref<4x4096xf32, #tpu.memory_space<vmem>>, %arg10: memref<4x4096xf32, #tpu.memory_space<vmem>>, %arg11: memref<4x4096xf32, #tpu.memory_space<vmem>>, %arg12: memref<!tpu.dma_semaphore, #tpu.memory_space<semaphore_mem>>, %arg13: memref<!tpu.dma_semaphore, #tpu.memory_space<semaphore_mem>>, %arg14: memref<!tpu.dma_semaphore, #tpu.memory_space<semaphore_mem>>, %arg15: memref<!tpu.dma_semaphore, #tpu.memory_space<semaphore_mem>>, %arg16: memref<!tpu.dma_semaphore, #tpu.memory_space<semaphore_mem>>, %arg17: memref<!tpu.dma_semaphore, #tpu.memory_space<semaphore_mem>>) attributes {dimension_semantics = [#tpu.dimension_semantics<core_parallel>, #tpu.dimension_semantics<subcore_parallel>], iteration_bounds = array<i64: 2, 16>, scalar_prefetch = 0 : i64, scratch_operands = 13 : i64, tpu.core_type = #tpu.core_type<sc_vector_subcore>, window_params = [{transform_indices = #map}, {transform_indices = #map1}, {transform_indices = #map}]} {
    %mul3A = arith.constant 2 : i32
    %mul3A_0 = arith.muli %arg1, %mul3A : i32
    %add3A = arith.addi %mul3A_0, %arg0 : i32
    %add3A_1 = arith.constant 0 : i32
    %add3A_2 = arith.addi %add3A_1, %add3A : i32
    %mul3A_3 = arith.constant 4 : i32
    %mul3A_4 = arith.muli %add3A_2, %mul3A_3 : i32
    %dma_start3A = arith.constant 0 : i32
    %dma_start3A_5 = tpu.memref_slice %arg2[%mul3A_4, %dma_start3A] : memref<8192x4096xf32, #tpu.memory_space<hbm>> -> memref<4x4096xf32, #tpu.memory_space<hbm>>
    %dma_start3A_6 = arith.constant 0 : i32
    %dma_start3A_7 = tpu.memref_slice %arg2[%mul3A_4, %dma_start3A_6] : memref<8192x4096xf32, #tpu.memory_space<hbm>> -> memref<4x4096xf32, #tpu.memory_space<hbm>>
    tpu.enqueue_dma source(%dma_start3A_7 : memref<4x4096xf32, #tpu.memory_space<hbm>>) target(%arg6 : memref<4x4096xf32, #tpu.memory_space<vmem>>) target_semaphore(%arg12 : memref<!tpu.dma_semaphore, #tpu.memory_space<semaphore_mem>>)
    %add3A_8 = arith.constant 32 : i32
    %add3A_9 = arith.addi %add3A_8, %add3A : i32
    %mul3A_10 = arith.constant 4 : i32
    %mul3A_11 = arith.muli %add3A_9, %mul3A_10 : i32
    %dma_start3A_12 = arith.constant 0 : i32
    %dma_start3A_13 = tpu.memref_slice %arg2[%mul3A_11, %dma_start3A_12] : memref<8192x4096xf32, #tpu.memory_space<hbm>> -> memref<4x4096xf32, #tpu.memory_space<hbm>>
    %dma_start3A_14 = arith.constant 0 : i32
    %dma_start3A_15 = tpu.memref_slice %arg2[%mul3A_11, %dma_start3A_14] : memref<8192x4096xf32, #tpu.memory_space<hbm>> -> memref<4x4096xf32, #tpu.memory_space<hbm>>
    tpu.enqueue_dma source(%dma_start3A_15 : memref<4x4096xf32, #tpu.memory_space<hbm>>) target(%arg7 : memref<4x4096xf32, #tpu.memory_space<vmem>>) target_semaphore(%arg13 : memref<!tpu.dma_semaphore, #tpu.memory_space<semaphore_mem>>)
    %add3A_16 = arith.constant 64 : i32
    %add3A_17 = arith.addi %add3A_16, %add3A : i32
    %mul3A_18 = arith.constant 4 : i32
    %mul3A_19 = arith.muli %add3A_17, %mul3A_18 : i32
    %dma_start3A_20 = arith.constant 0 : i32
    %dma_start3A_21 = tpu.memref_slice %arg2[%mul3A_19, %dma_start3A_20] : memref<8192x4096xf32, #tpu.memory_space<hbm>> -> memref<4x4096xf32, #tpu.memory_space<hbm>>
    %dma_start3A_22 = arith.constant 0 : i32
    %dma_start3A_23 = tpu.memref_slice %arg2[%mul3A_19, %dma_start3A_22] : memref<8192x4096xf32, #tpu.memory_space<hbm>> -> memref<4x4096xf32, #tpu.memory_space<hbm>>
    tpu.enqueue_dma source(%dma_start3A_23 : memref<4x4096xf32, #tpu.memory_space<hbm>>) target(%arg8 : memref<4x4096xf32, #tpu.memory_space<vmem>>) target_semaphore(%arg14 : memref<!tpu.dma_semaphore, #tpu.memory_space<semaphore_mem>>)
    %add3A_24 = arith.constant 96 : i32
    %add3A_25 = arith.addi %add3A_24, %add3A : i32
    %mul3A_26 = arith.constant 4 : i32
    %mul3A_27 = arith.muli %add3A_25, %mul3A_26 : i32
    %dma_start3A_28 = arith.constant 0 : i32
    %dma_start3A_29 = tpu.memref_slice %arg2[%mul3A_27, %dma_start3A_28] : memref<8192x4096xf32, #tpu.memory_space<hbm>> -> memref<4x4096xf32, #tpu.memory_space<hbm>>
    %dma_start3A_30 = arith.constant 0 : i32
    %dma_start3A_31 = tpu.memref_slice %arg2[%mul3A_27, %dma_start3A_30] : memref<8192x4096xf32, #tpu.memory_space<hbm>> -> memref<4x4096xf32, #tpu.memory_space<hbm>>
    tpu.enqueue_dma source(%dma_start3A_31 : memref<4x4096xf32, #tpu.memory_space<hbm>>) target(%arg9 : memref<4x4096xf32, #tpu.memory_space<vmem>>) target_semaphore(%arg15 : memref<!tpu.dma_semaphore, #tpu.memory_space<semaphore_mem>>)
    "tpu.region"() ({
      %run_scoped3A = tpu.sem_alloc : memref<!tpu.dma_semaphore, #tpu.memory_space<semaphore_mem>>
      tpu.enqueue_dma source(%arg3 : memref<4096xi32, #tpu.memory_space<hbm>>) target(%arg5 : memref<4096xi32, #tpu.memory_space<vmem>>) target_semaphore(%run_scoped3A : memref<!tpu.dma_semaphore, #tpu.memory_space<semaphore_mem>>)
      tpu.wait_dma2 semaphore(%run_scoped3A : memref<!tpu.dma_semaphore, #tpu.memory_space<semaphore_mem>>) src(%arg3 : memref<4096xi32, #tpu.memory_space<hbm>>) dst(%arg5 : memref<4096xi32, #tpu.memory_space<vmem>>)
      tpu.yield
    }) : () -> ()
    %scan3A = arith.constant 0 : i32
    %scan3A_32 = arith.constant 16 : i32
    %scan3A_33 = arith.addi %scan3A, %scan3A_32 : i32
    %scan3A_34 = arith.constant 1 : i32
    scf.for %scan3A_51 = %scan3A to %scan3A_33 step %scan3A_34  : i32 {
      %mul3A_52 = arith.constant 4 : i32
      %mul3A_53 = arith.muli %scan3A_51, %mul3A_52 : i32
      %add3A_54 = arith.constant 0 : i32
      %add3A_55 = arith.addi %add3A_54, %mul3A_53 : i32
      %add3A_56 = arith.constant 0 : i32
      %add3A_57 = arith.addi %add3A_55, %add3A_56 : i32
      %mul3A_58 = arith.constant 32 : i32
      %mul3A_59 = arith.muli %add3A_57, %mul3A_58 : i32
      %add3A_60 = arith.addi %mul3A_59, %add3A : i32
      %mul3A_61 = arith.constant 4 : i32
      %mul3A_62 = arith.muli %add3A_60, %mul3A_61 : i32
      %dma_wait3A_63 = arith.constant 0 : i32
      %dma_wait3A_64 = tpu.memref_slice %arg2[%mul3A_62, %dma_wait3A_63] : memref<8192x4096xf32, #tpu.memory_space<hbm>> -> memref<4x4096xf32, #tpu.memory_space<hbm>>
      %dma_wait3A_65 = arith.constant 0 : i32
      %dma_wait3A_66 = tpu.memref_slice %arg2[%mul3A_62, %dma_wait3A_65] : memref<8192x4096xf32, #tpu.memory_space<hbm>> -> memref<4x4096xf32, #tpu.memory_space<hbm>>
      tpu.wait_dma2 semaphore(%arg12 : memref<!tpu.dma_semaphore, #tpu.memory_space<semaphore_mem>>) src(%dma_wait3A_66 : memref<4x4096xf32, #tpu.memory_space<hbm>>) dst(%arg6 : memref<4x4096xf32, #tpu.memory_space<vmem>>)
      %ge3A = arith.constant 2 : i32
      %ge3A_67 = arith.cmpi sge, %add3A_57, %ge3A : i32
      %convert_element_type3A = arith.extui %ge3A_67 : i1 to i32
      %cond3A = arith.constant 0 : i32
      %cond3A_68 = arith.cmpi ne, %convert_element_type3A, %cond3A : i32
      scf.if %cond3A_68 {
        %sub3A = arith.constant 2 : i32
        %sub3A_171 = arith.subi %add3A_57, %sub3A : i32
        %mul3A_172 = arith.constant 32 : i32
        %mul3A_173 = arith.muli %sub3A_171, %mul3A_172 : i32
        %add3A_174 = arith.addi %mul3A_173, %add3A : i32
        %mul3A_175 = arith.constant 4 : i32
        %mul3A_176 = arith.muli %add3A_174, %mul3A_175 : i32
        %dma_wait3A_177 = arith.constant 0 : i32
        %dma_wait3A_178 = tpu.memref_slice %arg4[%mul3A_176, %dma_wait3A_177] : memref<8192x4096xf32, #tpu.memory_space<hbm>> -> memref<4x4096xf32, #tpu.memory_space<hbm>>
        %dma_wait3A_179 = arith.constant 0 : i32
        %dma_wait3A_180 = tpu.memref_slice %arg4[%mul3A_176, %dma_wait3A_179] : memref<8192x4096xf32, #tpu.memory_space<hbm>> -> memref<4x4096xf32, #tpu.memory_space<hbm>>
        tpu.wait_dma2 semaphore(%arg16 : memref<!tpu.dma_semaphore, #tpu.memory_space<semaphore_mem>>) src(%arg10 : memref<4x4096xf32, #tpu.memory_space<vmem>>) dst(%dma_wait3A_180 : memref<4x4096xf32, #tpu.memory_space<hbm>>)
      } else {
      }
      %parallel_loop3A = arith.constant 0 : i32
      %parallel_loop3A_69 = arith.constant 256 : i32
      %parallel_loop3A_70 = arith.constant 1 : i32
      scf.for %parallel_loop3A_171 = %parallel_loop3A to %parallel_loop3A_69 step %parallel_loop3A_70  : i32 {
        %parallel_loop3A_172 = arith.constant 16 : i32
        %parallel_loop3A_173 = arith.muli %parallel_loop3A_171, %parallel_loop3A_172 : i32
        %parallel_loop3A_174 = arith.index_cast %parallel_loop3A_173 : i32 to index
        %parallel_loop3A_175 = tpu.vector_load %arg5[%parallel_loop3A_174] {strides = array<i32>} : memref<4096xi32, #tpu.memory_space<vmem>>, vector<16xi32>,
        %parallel_loop3A_176 = arith.constant 0 : i32
        %parallel_loop3A_177 = vector.broadcast %parallel_loop3A_176 : i32 to vector<16xi32>
        %parallel_loop3A_178 = tpu.vector_load_idx %arg6[%parallel_loop3A_177, %parallel_loop3A_175] : memref<4x4096xf32, #tpu.memory_space<vmem>>[vector<16xi32>, vector<16xi32>], vector<16xf32>,
        %parallel_loop3A_179 = arith.constant 16 : i32
        %parallel_loop3A_180 = arith.muli %parallel_loop3A_171, %parallel_loop3A_179 : i32
        %parallel_loop3A_181 = arith.constant 0 : i32
        %parallel_loop3A_182 = arith.index_cast %parallel_loop3A_181 : i32 to index
        %parallel_loop3A_183 = arith.index_cast %parallel_loop3A_180 : i32 to index
        %parallel_loop3A_184 = tpu.vector_load %arg10[%parallel_loop3A_182, %parallel_loop3A_183] {strides = array<i32>} : memref<4x4096xf32, #tpu.memory_space<vmem>>, vector<16xf32>,
        tpu.vector_store %arg10[%parallel_loop3A_182, %parallel_loop3A_183], %parallel_loop3A_178 {strides = array<i32>} : memref<4x4096xf32, #tpu.memory_space<vmem>>, vector<16xf32>,
        %parallel_loop3A_185 = arith.constant 1 : i32
        %parallel_loop3A_186 = vector.broadcast %parallel_loop3A_185 : i32 to vector<16xi32>
        %parallel_loop3A_187 = tpu.vector_load_idx %arg6[%parallel_loop3A_186, %parallel_loop3A_175] : memref<4x4096xf32, #tpu.memory_space<vmem>>[vector<16xi32>, vector<16xi32>], vector<16xf32>,
        %parallel_loop3A_188 = arith.constant 16 : i32
        %parallel_loop3A_189 = arith.muli %parallel_loop3A_171, %parallel_loop3A_188 : i32
        %parallel_loop3A_190 = arith.constant 1 : i32
        %parallel_loop3A_191 = arith.index_cast %parallel_loop3A_190 : i32 to index
        %parallel_loop3A_192 = arith.index_cast %parallel_loop3A_189 : i32 to index
        %parallel_loop3A_193 = tpu.vector_load %arg10[%parallel_loop3A_191, %parallel_loop3A_192] {strides = array<i32>} : memref<4x4096xf32, #tpu.memory_space<vmem>>, vector<16xf32>,
        tpu.vector_store %arg10[%parallel_loop3A_191, %parallel_loop3A_192], %parallel_loop3A_187 {strides = array<i32>} : memref<4x4096xf32, #tpu.memory_space<vmem>>, vector<16xf32>,
        %parallel_loop3A_194 = arith.constant 2 : i32
        %parallel_loop3A_195 = vector.broadcast %parallel_loop3A_194 : i32 to vector<16xi32>
        %parallel_loop3A_196 = tpu.vector_load_idx %arg6[%parallel_loop3A_195, %parallel_loop3A_175] : memref<4x4096xf32, #tpu.memory_space<vmem>>[vector<16xi32>, vector<16xi32>], vector<16xf32>,
        %parallel_loop3A_197 = arith.constant 16 : i32
        %parallel_loop3A_198 = arith.muli %parallel_loop3A_171, %parallel_loop3A_197 : i32
        %parallel_loop3A_199 = arith.constant 2 : i32
        %parallel_loop3A_200 = arith.index_cast %parallel_loop3A_199 : i32 to index
        %parallel_loop3A_201 = arith.index_cast %parallel_loop3A_198 : i32 to index
        %parallel_loop3A_202 = tpu.vector_load %arg10[%parallel_loop3A_200, %parallel_loop3A_201] {strides = array<i32>} : memref<4x4096xf32, #tpu.memory_space<vmem>>, vector<16xf32>,
        tpu.vector_store %arg10[%parallel_loop3A_200, %parallel_loop3A_201], %parallel_loop3A_196 {strides = array<i32>} : memref<4x4096xf32, #tpu.memory_space<vmem>>, vector<16xf32>,
        %parallel_loop3A_203 = arith.constant 3 : i32
        %parallel_loop3A_204 = vector.broadcast %parallel_loop3A_203 : i32 to vector<16xi32>
        %parallel_loop3A_205 = tpu.vector_load_idx %arg6[%parallel_loop3A_204, %parallel_loop3A_175] : memref<4x4096xf32, #tpu.memory_space<vmem>>[vector<16xi32>, vector<16xi32>], vector<16xf32>,
        %parallel_loop3A_206 = arith.constant 16 : i32
        %parallel_loop3A_207 = arith.muli %parallel_loop3A_171, %parallel_loop3A_206 : i32
        %parallel_loop3A_208 = arith.constant 3 : i32
        %parallel_loop3A_209 = arith.index_cast %parallel_loop3A_208 : i32 to index
        %parallel_loop3A_210 = arith.index_cast %parallel_loop3A_207 : i32 to index
        %parallel_loop3A_211 = tpu.vector_load %arg10[%parallel_loop3A_209, %parallel_loop3A_210] {strides = array<i32>} : memref<4x4096xf32, #tpu.memory_space<vmem>>, vector<16xf32>,
        tpu.vector_store %arg10[%parallel_loop3A_209, %parallel_loop3A_210], %parallel_loop3A_205 {strides = array<i32>} : memref<4x4096xf32, #tpu.memory_space<vmem>>, vector<16xf32>,
      } {sc.loop_unroll_factor = 4 : i64, sc.parallel_access}
      %dma_start3A_71 = arith.constant 0 : i32
      %dma_start3A_72 = tpu.memref_slice %arg4[%mul3A_62, %dma_start3A_71] : memref<8192x4096xf32, #tpu.memory_space<hbm>> -> memref<4x4096xf32, #tpu.memory_space<hbm>>
      %dma_start3A_73 = arith.constant 0 : i32
      %dma_start3A_74 = tpu.memref_slice %arg4[%mul3A_62, %dma_start3A_73] : memref<8192x4096xf32, #tpu.memory_space<hbm>> -> memref<4x4096xf32, #tpu.memory_space<hbm>>
      tpu.enqueue_dma source(%arg10 : memref<4x4096xf32, #tpu.memory_space<vmem>>) target(%dma_start3A_74 : memref<4x4096xf32, #tpu.memory_space<hbm>>) target_semaphore(%arg16 : memref<!tpu.dma_semaphore, #tpu.memory_space<semaphore_mem>>)
      %add3A_75 = arith.constant 4 : i32
      %add3A_76 = arith.addi %add3A_57, %add3A_75 : i32
      %lt3A = arith.constant 64 : i32
      %lt3A_77 = arith.cmpi slt, %add3A_76, %lt3A : i32
      %convert_element_type3A_78 = arith.extui %lt3A_77 : i1 to i32
      %cond3A_79 = arith.constant 0 : i32
      %cond3A_80 = arith.cmpi ne, %convert_element_type3A_78, %cond3A_79 : i32
      scf.if %cond3A_80 {
        %mul3A_171 = arith.constant 32 : i32
        %mul3A_172 = arith.muli %add3A_76, %mul3A_171 : i32
        %add3A_173 = arith.addi %mul3A_172, %add3A : i32
        %mul3A_174 = arith.constant 4 : i32
        %mul3A_175 = arith.muli %add3A_173, %mul3A_174 : i32
        %dma_start3A_176 = arith.constant 0 : i32
        %dma_start3A_177 = tpu.memref_slice %arg2[%mul3A_175, %dma_start3A_176] : memref<8192x4096xf32, #tpu.memory_space<hbm>> -> memref<4x4096xf32, #tpu.memory_space<hbm>>
        %dma_start3A_178 = arith.constant 0 : i32
        %dma_start3A_179 = tpu.memref_slice %arg2[%mul3A_175, %dma_start3A_178] : memref<8192x4096xf32, #tpu.memory_space<hbm>> -> memref<4x4096xf32, #tpu.memory_space<hbm>>
        tpu.enqueue_dma source(%dma_start3A_179 : memref<4x4096xf32, #tpu.memory_space<hbm>>) target(%arg6 : memref<4x4096xf32, #tpu.memory_space<vmem>>) target_semaphore(%arg12 : memref<!tpu.dma_semaphore, #tpu.memory_space<semaphore_mem>>)
      } else {
      }
      %add3A_81 = arith.constant 1 : i32
      %add3A_82 = arith.addi %add3A_55, %add3A_81 : i32
      %mul3A_83 = arith.constant 32 : i32
      %mul3A_84 = arith.muli %add3A_82, %mul3A_83 : i32
      %add3A_85 = arith.addi %mul3A_84, %add3A : i32
      %mul3A_86 = arith.constant 4 : i32
      %mul3A_87 = arith.muli %add3A_85, %mul3A_86 : i32
      %dma_wait3A_88 = arith.constant 0 : i32
      %dma_wait3A_89 = tpu.memref_slice %arg2[%mul3A_87, %dma_wait3A_88] : memref<8192x4096xf32, #tpu.memory_space<hbm>> -> memref<4x4096xf32, #tpu.memory_space<hbm>>
      %dma_wait3A_90 = arith.constant 0 : i32
      %dma_wait3A_91 = tpu.memref_slice %arg2[%mul3A_87, %dma_wait3A_90] : memref<8192x4096xf32, #tpu.memory_space<hbm>> -> memref<4x4096xf32, #tpu.memory_space<hbm>>
      tpu.wait_dma2 semaphore(%arg13 : memref<!tpu.dma_semaphore, #tpu.memory_space<semaphore_mem>>) src(%dma_wait3A_91 : memref<4x4096xf32, #tpu.memory_space<hbm>>) dst(%arg7 : memref<4x4096xf32, #tpu.memory_space<vmem>>)
      %ge3A_92 = arith.constant 2 : i32
      %ge3A_93 = arith.cmpi sge, %add3A_82, %ge3A_92 : i32
      %convert_element_type3A_94 = arith.extui %ge3A_93 : i1 to i32
      %cond3A_95 = arith.constant 0 : i32
      %cond3A_96 = arith.cmpi ne, %convert_element_type3A_94, %cond3A_95 : i32
      scf.if %cond3A_96 {
        %sub3A = arith.constant 2 : i32
        %sub3A_171 = arith.subi %add3A_82, %sub3A : i32
        %mul3A_172 = arith.constant 32 : i32
        %mul3A_173 = arith.muli %sub3A_171, %mul3A_172 : i32
        %add3A_174 = arith.addi %mul3A_173, %add3A : i32
        %mul3A_175 = arith.constant 4 : i32
        %mul3A_176 = arith.muli %add3A_174, %mul3A_175 : i32
        %dma_wait3A_177 = arith.constant 0 : i32
        %dma_wait3A_178 = tpu.memref_slice %arg4[%mul3A_176, %dma_wait3A_177] : memref<8192x4096xf32, #tpu.memory_space<hbm>> -> memref<4x4096xf32, #tpu.memory_space<hbm>>
        %dma_wait3A_179 = arith.constant 0 : i32
        %dma_wait3A_180 = tpu.memref_slice %arg4[%mul3A_176, %dma_wait3A_179] : memref<8192x4096xf32, #tpu.memory_space<hbm>> -> memref<4x4096xf32, #tpu.memory_space<hbm>>
        tpu.wait_dma2 semaphore(%arg17 : memref<!tpu.dma_semaphore, #tpu.memory_space<semaphore_mem>>) src(%arg11 : memref<4x4096xf32, #tpu.memory_space<vmem>>) dst(%dma_wait3A_180 : memref<4x4096xf32, #tpu.memory_space<hbm>>)
      } else {
      }
      %parallel_loop3A_97 = arith.constant 0 : i32
      %parallel_loop3A_98 = arith.constant 256 : i32
      %parallel_loop3A_99 = arith.constant 1 : i32
      scf.for %parallel_loop3A_171 = %parallel_loop3A_97 to %parallel_loop3A_98 step %parallel_loop3A_99  : i32 {
        %parallel_loop3A_172 = arith.constant 16 : i32
        %parallel_loop3A_173 = arith.muli %parallel_loop3A_171, %parallel_loop3A_172 : i32
        %parallel_loop3A_174 = arith.index_cast %parallel_loop3A_173 : i32 to index
        %parallel_loop3A_175 = tpu.vector_load %arg5[%parallel_loop3A_174] {strides = array<i32>} : memref<4096xi32, #tpu.memory_space<vmem>>, vector<16xi32>,
        %parallel_loop3A_176 = arith.constant 0 : i32
        %parallel_loop3A_177 = vector.broadcast %parallel_loop3A_176 : i32 to vector<16xi32>
        %parallel_loop3A_178 = tpu.vector_load_idx %arg7[%parallel_loop3A_177, %parallel_loop3A_175] : memref<4x4096xf32, #tpu.memory_space<vmem>>[vector<16xi32>, vector<16xi32>], vector<16xf32>,
        %parallel_loop3A_179 = arith.constant 16 : i32
        %parallel_loop3A_180 = arith.muli %parallel_loop3A_171, %parallel_loop3A_179 : i32
        %parallel_loop3A_181 = arith.constant 0 : i32
        %parallel_loop3A_182 = arith.index_cast %parallel_loop3A_181 : i32 to index
        %parallel_loop3A_183 = arith.index_cast %parallel_loop3A_180 : i32 to index
        %parallel_loop3A_184 = tpu.vector_load %arg11[%parallel_loop3A_182, %parallel_loop3A_183] {strides = array<i32>} : memref<4x4096xf32, #tpu.memory_space<vmem>>, vector<16xf32>,
        tpu.vector_store %arg11[%parallel_loop3A_182, %parallel_loop3A_183], %parallel_loop3A_178 {strides = array<i32>} : memref<4x4096xf32, #tpu.memory_space<vmem>>, vector<16xf32>,
        %parallel_loop3A_185 = arith.constant 1 : i32
        %parallel_loop3A_186 = vector.broadcast %parallel_loop3A_185 : i32 to vector<16xi32>
        %parallel_loop3A_187 = tpu.vector_load_idx %arg7[%parallel_loop3A_186, %parallel_loop3A_175] : memref<4x4096xf32, #tpu.memory_space<vmem>>[vector<16xi32>, vector<16xi32>], vector<16xf32>,
        %parallel_loop3A_188 = arith.constant 16 : i32
        %parallel_loop3A_189 = arith.muli %parallel_loop3A_171, %parallel_loop3A_188 : i32
        %parallel_loop3A_190 = arith.constant 1 : i32
        %parallel_loop3A_191 = arith.index_cast %parallel_loop3A_190 : i32 to index
        %parallel_loop3A_192 = arith.index_cast %parallel_loop3A_189 : i32 to index
        %parallel_loop3A_193 = tpu.vector_load %arg11[%parallel_loop3A_191, %parallel_loop3A_192] {strides = array<i32>} : memref<4x4096xf32, #tpu.memory_space<vmem>>, vector<16xf32>,
        tpu.vector_store %arg11[%parallel_loop3A_191, %parallel_loop3A_192], %parallel_loop3A_187 {strides = array<i32>} : memref<4x4096xf32, #tpu.memory_space<vmem>>, vector<16xf32>,
        %parallel_loop3A_194 = arith.constant 2 : i32
        %parallel_loop3A_195 = vector.broadcast %parallel_loop3A_194 : i32 to vector<16xi32>
        %parallel_loop3A_196 = tpu.vector_load_idx %arg7[%parallel_loop3A_195, %parallel_loop3A_175] : memref<4x4096xf32, #tpu.memory_space<vmem>>[vector<16xi32>, vector<16xi32>], vector<16xf32>,
        %parallel_loop3A_197 = arith.constant 16 : i32
        %parallel_loop3A_198 = arith.muli %parallel_loop3A_171, %parallel_loop3A_197 : i32
        %parallel_loop3A_199 = arith.constant 2 : i32
        %parallel_loop3A_200 = arith.index_cast %parallel_loop3A_199 : i32 to index
        %parallel_loop3A_201 = arith.index_cast %parallel_loop3A_198 : i32 to index
        %parallel_loop3A_202 = tpu.vector_load %arg11[%parallel_loop3A_200, %parallel_loop3A_201] {strides = array<i32>} : memref<4x4096xf32, #tpu.memory_space<vmem>>, vector<16xf32>,
        tpu.vector_store %arg11[%parallel_loop3A_200, %parallel_loop3A_201], %parallel_loop3A_196 {strides = array<i32>} : memref<4x4096xf32, #tpu.memory_space<vmem>>, vector<16xf32>,
        %parallel_loop3A_203 = arith.constant 3 : i32
        %parallel_loop3A_204 = vector.broadcast %parallel_loop3A_203 : i32 to vector<16xi32>
        %parallel_loop3A_205 = tpu.vector_load_idx %arg7[%parallel_loop3A_204, %parallel_loop3A_175] : memref<4x4096xf32, #tpu.memory_space<vmem>>[vector<16xi32>, vector<16xi32>], vector<16xf32>,
        %parallel_loop3A_206 = arith.constant 16 : i32
        %parallel_loop3A_207 = arith.muli %parallel_loop3A_171, %parallel_loop3A_206 : i32
        %parallel_loop3A_208 = arith.constant 3 : i32
        %parallel_loop3A_209 = arith.index_cast %parallel_loop3A_208 : i32 to index
        %parallel_loop3A_210 = arith.index_cast %parallel_loop3A_207 : i32 to index
        %parallel_loop3A_211 = tpu.vector_load %arg11[%parallel_loop3A_209, %parallel_loop3A_210] {strides = array<i32>} : memref<4x4096xf32, #tpu.memory_space<vmem>>, vector<16xf32>,
        tpu.vector_store %arg11[%parallel_loop3A_209, %parallel_loop3A_210], %parallel_loop3A_205 {strides = array<i32>} : memref<4x4096xf32, #tpu.memory_space<vmem>>, vector<16xf32>,
      } {sc.loop_unroll_factor = 4 : i64, sc.parallel_access}
      %dma_start3A_100 = arith.constant 0 : i32
      %dma_start3A_101 = tpu.memref_slice %arg4[%mul3A_87, %dma_start3A_100] : memref<8192x4096xf32, #tpu.memory_space<hbm>> -> memref<4x4096xf32, #tpu.memory_space<hbm>>
      %dma_start3A_102 = arith.constant 0 : i32
      %dma_start3A_103 = tpu.memref_slice %arg4[%mul3A_87, %dma_start3A_102] : memref<8192x4096xf32, #tpu.memory_space<hbm>> -> memref<4x4096xf32, #tpu.memory_space<hbm>>
      tpu.enqueue_dma source(%arg11 : memref<4x4096xf32, #tpu.memory_space<vmem>>) target(%dma_start3A_103 : memref<4x4096xf32, #tpu.memory_space<hbm>>) target_semaphore(%arg17 : memref<!tpu.dma_semaphore, #tpu.memory_space<semaphore_mem>>)
      %add3A_104 = arith.constant 4 : i32
      %add3A_105 = arith.addi %add3A_82, %add3A_104 : i32
      %lt3A_106 = arith.constant 64 : i32
      %lt3A_107 = arith.cmpi slt, %add3A_105, %lt3A_106 : i32
      %convert_element_type3A_108 = arith.extui %lt3A_107 : i1 to i32
      %cond3A_109 = arith.constant 0 : i32
      %cond3A_110 = arith.cmpi ne, %convert_element_type3A_108, %cond3A_109 : i32
      scf.if %cond3A_110 {
        %mul3A_171 = arith.constant 32 : i32
        %mul3A_172 = arith.muli %add3A_105, %mul3A_171 : i32
        %add3A_173 = arith.addi %mul3A_172, %add3A : i32
        %mul3A_174 = arith.constant 4 : i32
        %mul3A_175 = arith.muli %add3A_173, %mul3A_174 : i32
        %dma_start3A_176 = arith.constant 0 : i32
        %dma_start3A_177 = tpu.memref_slice %arg2[%mul3A_175, %dma_start3A_176] : memref<8192x4096xf32, #tpu.memory_space<hbm>> -> memref<4x4096xf32, #tpu.memory_space<hbm>>
        %dma_start3A_178 = arith.constant 0 : i32
        %dma_start3A_179 = tpu.memref_slice %arg2[%mul3A_175, %dma_start3A_178] : memref<8192x4096xf32, #tpu.memory_space<hbm>> -> memref<4x4096xf32, #tpu.memory_space<hbm>>
        tpu.enqueue_dma source(%dma_start3A_179 : memref<4x4096xf32, #tpu.memory_space<hbm>>) target(%arg7 : memref<4x4096xf32, #tpu.memory_space<vmem>>) target_semaphore(%arg13 : memref<!tpu.dma_semaphore, #tpu.memory_space<semaphore_mem>>)
      } else {
      }
      %add3A_111 = arith.constant 2 : i32
      %add3A_112 = arith.addi %add3A_55, %add3A_111 : i32
      %mul3A_113 = arith.constant 32 : i32
      %mul3A_114 = arith.muli %add3A_112, %mul3A_113 : i32
      %add3A_115 = arith.addi %mul3A_114, %add3A : i32
      %mul3A_116 = arith.constant 4 : i32
      %mul3A_117 = arith.muli %add3A_115, %mul3A_116 : i32
      %dma_wait3A_118 = arith.constant 0 : i32
      %dma_wait3A_119 = tpu.memref_slice %arg2[%mul3A_117, %dma_wait3A_118] : memref<8192x4096xf32, #tpu.memory_space<hbm>> -> memref<4x4096xf32, #tpu.memory_space<hbm>>
      %dma_wait3A_120 = arith.constant 0 : i32
      %dma_wait3A_121 = tpu.memref_slice %arg2[%mul3A_117, %dma_wait3A_120] : memref<8192x4096xf32, #tpu.memory_space<hbm>> -> memref<4x4096xf32, #tpu.memory_space<hbm>>
      tpu.wait_dma2 semaphore(%arg14 : memref<!tpu.dma_semaphore, #tpu.memory_space<semaphore_mem>>) src(%dma_wait3A_121 : memref<4x4096xf32, #tpu.memory_space<hbm>>) dst(%arg8 : memref<4x4096xf32, #tpu.memory_space<vmem>>)
      %ge3A_122 = arith.constant 2 : i32
      %ge3A_123 = arith.cmpi sge, %add3A_112, %ge3A_122 : i32
      %convert_element_type3A_124 = arith.extui %ge3A_123 : i1 to i32
      %cond3A_125 = arith.constant 0 : i32
      %cond3A_126 = arith.cmpi ne, %convert_element_type3A_124, %cond3A_125 : i32
      scf.if %cond3A_126 {
        %sub3A = arith.constant 2 : i32
        %sub3A_171 = arith.subi %add3A_112, %sub3A : i32
        %mul3A_172 = arith.constant 32 : i32
        %mul3A_173 = arith.muli %sub3A_171, %mul3A_172 : i32
        %add3A_174 = arith.addi %mul3A_173, %add3A : i32
        %mul3A_175 = arith.constant 4 : i32
        %mul3A_176 = arith.muli %add3A_174, %mul3A_175 : i32
        %dma_wait3A_177 = arith.constant 0 : i32
        %dma_wait3A_178 = tpu.memref_slice %arg4[%mul3A_176, %dma_wait3A_177] : memref<8192x4096xf32, #tpu.memory_space<hbm>> -> memref<4x4096xf32, #tpu.memory_space<hbm>>
        %dma_wait3A_179 = arith.constant 0 : i32
        %dma_wait3A_180 = tpu.memref_slice %arg4[%mul3A_176, %dma_wait3A_179] : memref<8192x4096xf32, #tpu.memory_space<hbm>> -> memref<4x4096xf32, #tpu.memory_space<hbm>>
        tpu.wait_dma2 semaphore(%arg16 : memref<!tpu.dma_semaphore, #tpu.memory_space<semaphore_mem>>) src(%arg10 : memref<4x4096xf32, #tpu.memory_space<vmem>>) dst(%dma_wait3A_180 : memref<4x4096xf32, #tpu.memory_space<hbm>>)
      } else {
      }
      %parallel_loop3A_127 = arith.constant 0 : i32
      %parallel_loop3A_128 = arith.constant 256 : i32
      %parallel_loop3A_129 = arith.constant 1 : i32
      scf.for %parallel_loop3A_171 = %parallel_loop3A_127 to %parallel_loop3A_128 step %parallel_loop3A_129  : i32 {
        %parallel_loop3A_172 = arith.constant 16 : i32
        %parallel_loop3A_173 = arith.muli %parallel_loop3A_171, %parallel_loop3A_172 : i32
        %parallel_loop3A_174 = arith.index_cast %parallel_loop3A_173 : i32 to index
        %parallel_loop3A_175 = tpu.vector_load %arg5[%parallel_loop3A_174] {strides = array<i32>} : memref<4096xi32, #tpu.memory_space<vmem>>, vector<16xi32>,
        %parallel_loop3A_176 = arith.constant 0 : i32
        %parallel_loop3A_177 = vector.broadcast %parallel_loop3A_176 : i32 to vector<16xi32>
        %parallel_loop3A_178 = tpu.vector_load_idx %arg8[%parallel_loop3A_177, %parallel_loop3A_175] : memref<4x4096xf32, #tpu.memory_space<vmem>>[vector<16xi32>, vector<16xi32>], vector<16xf32>,
        %parallel_loop3A_179 = arith.constant 16 : i32
        %parallel_loop3A_180 = arith.muli %parallel_loop3A_171, %parallel_loop3A_179 : i32
        %parallel_loop3A_181 = arith.constant 0 : i32
        %parallel_loop3A_182 = arith.index_cast %parallel_loop3A_181 : i32 to index
        %parallel_loop3A_183 = arith.index_cast %parallel_loop3A_180 : i32 to index
        %parallel_loop3A_184 = tpu.vector_load %arg10[%parallel_loop3A_182, %parallel_loop3A_183] {strides = array<i32>} : memref<4x4096xf32, #tpu.memory_space<vmem>>, vector<16xf32>,
        tpu.vector_store %arg10[%parallel_loop3A_182, %parallel_loop3A_183], %parallel_loop3A_178 {strides = array<i32>} : memref<4x4096xf32, #tpu.memory_space<vmem>>, vector<16xf32>,
        %parallel_loop3A_185 = arith.constant 1 : i32
        %parallel_loop3A_186 = vector.broadcast %parallel_loop3A_185 : i32 to vector<16xi32>
        %parallel_loop3A_187 = tpu.vector_load_idx %arg8[%parallel_loop3A_186, %parallel_loop3A_175] : memref<4x4096xf32, #tpu.memory_space<vmem>>[vector<16xi32>, vector<16xi32>], vector<16xf32>,
        %parallel_loop3A_188 = arith.constant 16 : i32
        %parallel_loop3A_189 = arith.muli %parallel_loop3A_171, %parallel_loop3A_188 : i32
        %parallel_loop3A_190 = arith.constant 1 : i32
        %parallel_loop3A_191 = arith.index_cast %parallel_loop3A_190 : i32 to index
        %parallel_loop3A_192 = arith.index_cast %parallel_loop3A_189 : i32 to index
        %parallel_loop3A_193 = tpu.vector_load %arg10[%parallel_loop3A_191, %parallel_loop3A_192] {strides = array<i32>} : memref<4x4096xf32, #tpu.memory_space<vmem>>, vector<16xf32>,
        tpu.vector_store %arg10[%parallel_loop3A_191, %parallel_loop3A_192], %parallel_loop3A_187 {strides = array<i32>} : memref<4x4096xf32, #tpu.memory_space<vmem>>, vector<16xf32>,
        %parallel_loop3A_194 = arith.constant 2 : i32
        %parallel_loop3A_195 = vector.broadcast %parallel_loop3A_194 : i32 to vector<16xi32>
        %parallel_loop3A_196 = tpu.vector_load_idx %arg8[%parallel_loop3A_195, %parallel_loop3A_175] : memref<4x4096xf32, #tpu.memory_space<vmem>>[vector<16xi32>, vector<16xi32>], vector<16xf32>,
        %parallel_loop3A_197 = arith.constant 16 : i32
        %parallel_loop3A_198 = arith.muli %parallel_loop3A_171, %parallel_loop3A_197 : i32
        %parallel_loop3A_199 = arith.constant 2 : i32
        %parallel_loop3A_200 = arith.index_cast %parallel_loop3A_199 : i32 to index
        %parallel_loop3A_201 = arith.index_cast %parallel_loop3A_198 : i32 to index
        %parallel_loop3A_202 = tpu.vector_load %arg10[%parallel_loop3A_200, %parallel_loop3A_201] {strides = array<i32>} : memref<4x4096xf32, #tpu.memory_space<vmem>>, vector<16xf32>,
        tpu.vector_store %arg10[%parallel_loop3A_200, %parallel_loop3A_201], %parallel_loop3A_196 {strides = array<i32>} : memref<4x4096xf32, #tpu.memory_space<vmem>>, vector<16xf32>,
        %parallel_loop3A_203 = arith.constant 3 : i32
        %parallel_loop3A_204 = vector.broadcast %parallel_loop3A_203 : i32 to vector<16xi32>
        %parallel_loop3A_205 = tpu.vector_load_idx %arg8[%parallel_loop3A_204, %parallel_loop3A_175] : memref<4x4096xf32, #tpu.memory_space<vmem>>[vector<16xi32>, vector<16xi32>], vector<16xf32>,
        %parallel_loop3A_206 = arith.constant 16 : i32
        %parallel_loop3A_207 = arith.muli %parallel_loop3A_171, %parallel_loop3A_206 : i32
        %parallel_loop3A_208 = arith.constant 3 : i32
        %parallel_loop3A_209 = arith.index_cast %parallel_loop3A_208 : i32 to index
        %parallel_loop3A_210 = arith.index_cast %parallel_loop3A_207 : i32 to index
        %parallel_loop3A_211 = tpu.vector_load %arg10[%parallel_loop3A_209, %parallel_loop3A_210] {strides = array<i32>} : memref<4x4096xf32, #tpu.memory_space<vmem>>, vector<16xf32>,
        tpu.vector_store %arg10[%parallel_loop3A_209, %parallel_loop3A_210], %parallel_loop3A_205 {strides = array<i32>} : memref<4x4096xf32, #tpu.memory_space<vmem>>, vector<16xf32>,
      } {sc.loop_unroll_factor = 4 : i64, sc.parallel_access}
      %dma_start3A_130 = arith.constant 0 : i32
      %dma_start3A_131 = tpu.memref_slice %arg4[%mul3A_117, %dma_start3A_130] : memref<8192x4096xf32, #tpu.memory_space<hbm>> -> memref<4x4096xf32, #tpu.memory_space<hbm>>
      %dma_start3A_132 = arith.constant 0 : i32
      %dma_start3A_133 = tpu.memref_slice %arg4[%mul3A_117, %dma_start3A_132] : memref<8192x4096xf32, #tpu.memory_space<hbm>> -> memref<4x4096xf32, #tpu.memory_space<hbm>>
      tpu.enqueue_dma source(%arg10 : memref<4x4096xf32, #tpu.memory_space<vmem>>) target(%dma_start3A_133 : memref<4x4096xf32, #tpu.memory_space<hbm>>) target_semaphore(%arg16 : memref<!tpu.dma_semaphore, #tpu.memory_space<semaphore_mem>>)
      %add3A_134 = arith.constant 4 : i32
      %add3A_135 = arith.addi %add3A_112, %add3A_134 : i32
      %lt3A_136 = arith.constant 64 : i32
      %lt3A_137 = arith.cmpi slt, %add3A_135, %lt3A_136 : i32
      %convert_element_type3A_138 = arith.extui %lt3A_137 : i1 to i32
      %cond3A_139 = arith.constant 0 : i32
      %cond3A_140 = arith.cmpi ne, %convert_element_type3A_138, %cond3A_139 : i32
      scf.if %cond3A_140 {
        %mul3A_171 = arith.constant 32 : i32
        %mul3A_172 = arith.muli %add3A_135, %mul3A_171 : i32
        %add3A_173 = arith.addi %mul3A_172, %add3A : i32
        %mul3A_174 = arith.constant 4 : i32
        %mul3A_175 = arith.muli %add3A_173, %mul3A_174 : i32
        %dma_start3A_176 = arith.constant 0 : i32
        %dma_start3A_177 = tpu.memref_slice %arg2[%mul3A_175, %dma_start3A_176] : memref<8192x4096xf32, #tpu.memory_space<hbm>> -> memref<4x4096xf32, #tpu.memory_space<hbm>>
        %dma_start3A_178 = arith.constant 0 : i32
        %dma_start3A_179 = tpu.memref_slice %arg2[%mul3A_175, %dma_start3A_178] : memref<8192x4096xf32, #tpu.memory_space<hbm>> -> memref<4x4096xf32, #tpu.memory_space<hbm>>
        tpu.enqueue_dma source(%dma_start3A_179 : memref<4x4096xf32, #tpu.memory_space<hbm>>) target(%arg8 : memref<4x4096xf32, #tpu.memory_space<vmem>>) target_semaphore(%arg14 : memref<!tpu.dma_semaphore, #tpu.memory_space<semaphore_mem>>)
      } else {
      }
      %add3A_141 = arith.constant 3 : i32
      %add3A_142 = arith.addi %add3A_55, %add3A_141 : i32
      %mul3A_143 = arith.constant 32 : i32
      %mul3A_144 = arith.muli %add3A_142, %mul3A_143 : i32
      %add3A_145 = arith.addi %mul3A_144, %add3A : i32
      %mul3A_146 = arith.constant 4 : i32
      %mul3A_147 = arith.muli %add3A_145, %mul3A_146 : i32
      %dma_wait3A_148 = arith.constant 0 : i32
      %dma_wait3A_149 = tpu.memref_slice %arg2[%mul3A_147, %dma_wait3A_148] : memref<8192x4096xf32, #tpu.memory_space<hbm>> -> memref<4x4096xf32, #tpu.memory_space<hbm>>
      %dma_wait3A_150 = arith.constant 0 : i32
      %dma_wait3A_151 = tpu.memref_slice %arg2[%mul3A_147, %dma_wait3A_150] : memref<8192x4096xf32, #tpu.memory_space<hbm>> -> memref<4x4096xf32, #tpu.memory_space<hbm>>
      tpu.wait_dma2 semaphore(%arg15 : memref<!tpu.dma_semaphore, #tpu.memory_space<semaphore_mem>>) src(%dma_wait3A_151 : memref<4x4096xf32, #tpu.memory_space<hbm>>) dst(%arg9 : memref<4x4096xf32, #tpu.memory_space<vmem>>)
      %ge3A_152 = arith.constant 2 : i32
      %ge3A_153 = arith.cmpi sge, %add3A_142, %ge3A_152 : i32
      %convert_element_type3A_154 = arith.extui %ge3A_153 : i1 to i32
      %cond3A_155 = arith.constant 0 : i32
      %cond3A_156 = arith.cmpi ne, %convert_element_type3A_154, %cond3A_155 : i32
      scf.if %cond3A_156 {
        %sub3A = arith.constant 2 : i32
        %sub3A_171 = arith.subi %add3A_142, %sub3A : i32
        %mul3A_172 = arith.constant 32 : i32
        %mul3A_173 = arith.muli %sub3A_171, %mul3A_172 : i32
        %add3A_174 = arith.addi %mul3A_173, %add3A : i32
        %mul3A_175 = arith.constant 4 : i32
        %mul3A_176 = arith.muli %add3A_174, %mul3A_175 : i32
        %dma_wait3A_177 = arith.constant 0 : i32
        %dma_wait3A_178 = tpu.memref_slice %arg4[%mul3A_176, %dma_wait3A_177] : memref<8192x4096xf32, #tpu.memory_space<hbm>> -> memref<4x4096xf32, #tpu.memory_space<hbm>>
        %dma_wait3A_179 = arith.constant 0 : i32
        %dma_wait3A_180 = tpu.memref_slice %arg4[%mul3A_176, %dma_wait3A_179] : memref<8192x4096xf32, #tpu.memory_space<hbm>> -> memref<4x4096xf32, #tpu.memory_space<hbm>>
        tpu.wait_dma2 semaphore(%arg17 : memref<!tpu.dma_semaphore, #tpu.memory_space<semaphore_mem>>) src(%arg11 : memref<4x4096xf32, #tpu.memory_space<vmem>>) dst(%dma_wait3A_180 : memref<4x4096xf32, #tpu.memory_space<hbm>>)
      } else {
      }
      %parallel_loop3A_157 = arith.constant 0 : i32
      %parallel_loop3A_158 = arith.constant 256 : i32
      %parallel_loop3A_159 = arith.constant 1 : i32
      scf.for %parallel_loop3A_171 = %parallel_loop3A_157 to %parallel_loop3A_158 step %parallel_loop3A_159  : i32 {
        %parallel_loop3A_172 = arith.constant 16 : i32
        %parallel_loop3A_173 = arith.muli %parallel_loop3A_171, %parallel_loop3A_172 : i32
        %parallel_loop3A_174 = arith.index_cast %parallel_loop3A_173 : i32 to index
        %parallel_loop3A_175 = tpu.vector_load %arg5[%parallel_loop3A_174] {strides = array<i32>} : memref<4096xi32, #tpu.memory_space<vmem>>, vector<16xi32>,
        %parallel_loop3A_176 = arith.constant 0 : i32
        %parallel_loop3A_177 = vector.broadcast %parallel_loop3A_176 : i32 to vector<16xi32>
        %parallel_loop3A_178 = tpu.vector_load_idx %arg9[%parallel_loop3A_177, %parallel_loop3A_175] : memref<4x4096xf32, #tpu.memory_space<vmem>>[vector<16xi32>, vector<16xi32>], vector<16xf32>,
        %parallel_loop3A_179 = arith.constant 16 : i32
        %parallel_loop3A_180 = arith.muli %parallel_loop3A_171, %parallel_loop3A_179 : i32
        %parallel_loop3A_181 = arith.constant 0 : i32
        %parallel_loop3A_182 = arith.index_cast %parallel_loop3A_181 : i32 to index
        %parallel_loop3A_183 = arith.index_cast %parallel_loop3A_180 : i32 to index
        %parallel_loop3A_184 = tpu.vector_load %arg11[%parallel_loop3A_182, %parallel_loop3A_183] {strides = array<i32>} : memref<4x4096xf32, #tpu.memory_space<vmem>>, vector<16xf32>,
        tpu.vector_store %arg11[%parallel_loop3A_182, %parallel_loop3A_183], %parallel_loop3A_178 {strides = array<i32>} : memref<4x4096xf32, #tpu.memory_space<vmem>>, vector<16xf32>,
        %parallel_loop3A_185 = arith.constant 1 : i32
        %parallel_loop3A_186 = vector.broadcast %parallel_loop3A_185 : i32 to vector<16xi32>
        %parallel_loop3A_187 = tpu.vector_load_idx %arg9[%parallel_loop3A_186, %parallel_loop3A_175] : memref<4x4096xf32, #tpu.memory_space<vmem>>[vector<16xi32>, vector<16xi32>], vector<16xf32>,
        %parallel_loop3A_188 = arith.constant 16 : i32
        %parallel_loop3A_189 = arith.muli %parallel_loop3A_171, %parallel_loop3A_188 : i32
        %parallel_loop3A_190 = arith.constant 1 : i32
        %parallel_loop3A_191 = arith.index_cast %parallel_loop3A_190 : i32 to index
        %parallel_loop3A_192 = arith.index_cast %parallel_loop3A_189 : i32 to index
        %parallel_loop3A_193 = tpu.vector_load %arg11[%parallel_loop3A_191, %parallel_loop3A_192] {strides = array<i32>} : memref<4x4096xf32, #tpu.memory_space<vmem>>, vector<16xf32>,
        tpu.vector_store %arg11[%parallel_loop3A_191, %parallel_loop3A_192], %parallel_loop3A_187 {strides = array<i32>} : memref<4x4096xf32, #tpu.memory_space<vmem>>, vector<16xf32>,
        %parallel_loop3A_194 = arith.constant 2 : i32
        %parallel_loop3A_195 = vector.broadcast %parallel_loop3A_194 : i32 to vector<16xi32>
        %parallel_loop3A_196 = tpu.vector_load_idx %arg9[%parallel_loop3A_195, %parallel_loop3A_175] : memref<4x4096xf32, #tpu.memory_space<vmem>>[vector<16xi32>, vector<16xi32>], vector<16xf32>,
        %parallel_loop3A_197 = arith.constant 16 : i32
        %parallel_loop3A_198 = arith.muli %parallel_loop3A_171, %parallel_loop3A_197 : i32
        %parallel_loop3A_199 = arith.constant 2 : i32
        %parallel_loop3A_200 = arith.index_cast %parallel_loop3A_199 : i32 to index
        %parallel_loop3A_201 = arith.index_cast %parallel_loop3A_198 : i32 to index
        %parallel_loop3A_202 = tpu.vector_load %arg11[%parallel_loop3A_200, %parallel_loop3A_201] {strides = array<i32>} : memref<4x4096xf32, #tpu.memory_space<vmem>>, vector<16xf32>,
        tpu.vector_store %arg11[%parallel_loop3A_200, %parallel_loop3A_201], %parallel_loop3A_196 {strides = array<i32>} : memref<4x4096xf32, #tpu.memory_space<vmem>>, vector<16xf32>,
        %parallel_loop3A_203 = arith.constant 3 : i32
        %parallel_loop3A_204 = vector.broadcast %parallel_loop3A_203 : i32 to vector<16xi32>
        %parallel_loop3A_205 = tpu.vector_load_idx %arg9[%parallel_loop3A_204, %parallel_loop3A_175] : memref<4x4096xf32, #tpu.memory_space<vmem>>[vector<16xi32>, vector<16xi32>], vector<16xf32>,
        %parallel_loop3A_206 = arith.constant 16 : i32
        %parallel_loop3A_207 = arith.muli %parallel_loop3A_171, %parallel_loop3A_206 : i32
        %parallel_loop3A_208 = arith.constant 3 : i32
        %parallel_loop3A_209 = arith.index_cast %parallel_loop3A_208 : i32 to index
        %parallel_loop3A_210 = arith.index_cast %parallel_loop3A_207 : i32 to index
        %parallel_loop3A_211 = tpu.vector_load %arg11[%parallel_loop3A_209, %parallel_loop3A_210] {strides = array<i32>} : memref<4x4096xf32, #tpu.memory_space<vmem>>, vector<16xf32>,
        tpu.vector_store %arg11[%parallel_loop3A_209, %parallel_loop3A_210], %parallel_loop3A_205 {strides = array<i32>} : memref<4x4096xf32, #tpu.memory_space<vmem>>, vector<16xf32>,
      } {sc.loop_unroll_factor = 4 : i64, sc.parallel_access}
      %dma_start3A_160 = arith.constant 0 : i32
      %dma_start3A_161 = tpu.memref_slice %arg4[%mul3A_147, %dma_start3A_160] : memref<8192x4096xf32, #tpu.memory_space<hbm>> -> memref<4x4096xf32, #tpu.memory_space<hbm>>
      %dma_start3A_162 = arith.constant 0 : i32
      %dma_start3A_163 = tpu.memref_slice %arg4[%mul3A_147, %dma_start3A_162] : memref<8192x4096xf32, #tpu.memory_space<hbm>> -> memref<4x4096xf32, #tpu.memory_space<hbm>>
      tpu.enqueue_dma source(%arg11 : memref<4x4096xf32, #tpu.memory_space<vmem>>) target(%dma_start3A_163 : memref<4x4096xf32, #tpu.memory_space<hbm>>) target_semaphore(%arg17 : memref<!tpu.dma_semaphore, #tpu.memory_space<semaphore_mem>>)
      %add3A_164 = arith.constant 4 : i32
      %add3A_165 = arith.addi %add3A_142, %add3A_164 : i32
      %lt3A_166 = arith.constant 64 : i32
      %lt3A_167 = arith.cmpi slt, %add3A_165, %lt3A_166 : i32
      %convert_element_type3A_168 = arith.extui %lt3A_167 : i1 to i32
      %cond3A_169 = arith.constant 0 : i32
      %cond3A_170 = arith.cmpi ne, %convert_element_type3A_168, %cond3A_169 : i32
      scf.if %cond3A_170 {
        %mul3A_171 = arith.constant 32 : i32
        %mul3A_172 = arith.muli %add3A_165, %mul3A_171 : i32
        %add3A_173 = arith.addi %mul3A_172, %add3A : i32
        %mul3A_174 = arith.constant 4 : i32
        %mul3A_175 = arith.muli %add3A_173, %mul3A_174 : i32
        %dma_start3A_176 = arith.constant 0 : i32
        %dma_start3A_177 = tpu.memref_slice %arg2[%mul3A_175, %dma_start3A_176] : memref<8192x4096xf32, #tpu.memory_space<hbm>> -> memref<4x4096xf32, #tpu.memory_space<hbm>>
        %dma_start3A_178 = arith.constant 0 : i32
        %dma_start3A_179 = tpu.memref_slice %arg2[%mul3A_175, %dma_start3A_178] : memref<8192x4096xf32, #tpu.memory_space<hbm>> -> memref<4x4096xf32, #tpu.memory_space<hbm>>
        tpu.enqueue_dma source(%dma_start3A_179 : memref<4x4096xf32, #tpu.memory_space<hbm>>) target(%arg9 : memref<4x4096xf32, #tpu.memory_space<vmem>>) target_semaphore(%arg15 : memref<!tpu.dma_semaphore, #tpu.memory_space<semaphore_mem>>)
      } else {
      }
    }
    %scan3A_35 = arith.constant 16 : i32
    %add3A_36 = arith.constant 1984 : i32
    %add3A_37 = arith.addi %add3A_36, %add3A : i32
    %mul3A_38 = arith.constant 4 : i32
    %mul3A_39 = arith.muli %add3A_37, %mul3A_38 : i32
    %dma_wait3A = arith.constant 0 : i32
    %dma_wait3A_40 = tpu.memref_slice %arg4[%mul3A_39, %dma_wait3A] : memref<8192x4096xf32, #tpu.memory_space<hbm>> -> memref<4x4096xf32, #tpu.memory_space<hbm>>
    %dma_wait3A_41 = arith.constant 0 : i32
    %dma_wait3A_42 = tpu.memref_slice %arg4[%mul3A_39, %dma_wait3A_41] : memref<8192x4096xf32, #tpu.memory_space<hbm>> -> memref<4x4096xf32, #tpu.memory_space<hbm>>
    tpu.wait_dma2 semaphore(%arg16 : memref<!tpu.dma_semaphore, #tpu.memory_space<semaphore_mem>>) src(%arg10 : memref<4x4096xf32, #tpu.memory_space<vmem>>) dst(%dma_wait3A_42 : memref<4x4096xf32, #tpu.memory_space<hbm>>)
    %add3A_43 = arith.constant 2016 : i32
    %add3A_44 = arith.addi %add3A_43, %add3A : i32
    %mul3A_45 = arith.constant 4 : i32
    %mul3A_46 = arith.muli %add3A_44, %mul3A_45 : i32
    %dma_wait3A_47 = arith.constant 0 : i32
    %dma_wait3A_48 = tpu.memref_slice %arg4[%mul3A_46, %dma_wait3A_47] : memref<8192x4096xf32, #tpu.memory_space<hbm>> -> memref<4x4096xf32, #tpu.memory_space<hbm>>
    %dma_wait3A_49 = arith.constant 0 : i32
    %dma_wait3A_50 = tpu.memref_slice %arg4[%mul3A_46, %dma_wait3A_49] : memref<8192x4096xf32, #tpu.memory_space<hbm>> -> memref<4x4096xf32, #tpu.memory_space<hbm>>
    tpu.wait_dma2 semaphore(%arg17 : memref<!tpu.dma_semaphore, #tpu.memory_space<semaphore_mem>>) src(%arg11 : memref<4x4096xf32, #tpu.memory_space<vmem>>) dst(%dma_wait3A_50 : memref<4x4096xf32, #tpu.memory_space<hbm>>)
    return
  }
}

</mosaic_0001>

<sc_bundles>
// kernel: kernel.3.cloned.1.call-start
scs
__scs_entry_jumppad:
0x0: {  	(pc) =	sbr.rel $0x88, $3  }
0x1: {  	(tag) =	ssettag $0x0;
	lr =	simm.s32 $0x1  }
0x2: {  	[smem:$0x3FA0] =	sst lr;
	_ =	strace $0xD0000000  }
0x3: {  	_ = 	snop  }
0x4: {  	_ = 	snop  }
0x5: {  	_ = 	snop  }
0x6: {  	_ = 	snop  }
0x7: {  	_ = 	snop  }
__scs_overlays_trampoline_lowered:
0x8: {  	[smem:$0x3FAF] =	sst s0  }
0x9: {  	[smem:$0x3FB0] =	sst s1  }
0xa: {  	[smem:$0x3FB1] =	sst s2  }
0xb: {  	[smem:$0x3FB2] =	sst s3  }
0xc: {  	[smem:$0x3FB3] =	sst s4  }
0xd: {  	[smem:$0x3FB4] =	sst s5  }
0xe: {  	[smem:$0x3FB5] =	sst s6  }
0xf: {  	[smem:$0x3FB6] =	sst s7  }
0x10: {  	[smem:$0x3FB7] =	sst s8  }
0x11: {  	[smem:$0x3FB8] =	sst s9;
	s0 =	simm.s32 @!p0 $0x0  }
0x12: {  	s1 =	sld [smem:$0x3F9E];
	s0 =	simm.s32 @p0 $0x1  }
0x13: {  	[smem:$0x3FB9] =	sst s0;
	s0 =	simm.s32 @!p1 $0x0  }
0x14: {  	s2 =	sld [smem:$0x3F9D];
	s0 =	simm.s32 @p1 $0x1  }
0x15: {  	[smem:$0x3FBA] =	sst s0;
	s0 =	simm.s32 @!p2 $0x0  }
0x16: {  	s3 =	sld [smem:$0x3FDB];
	s0 =	simm.s32 @p2 $0x1  }
0x17: {  	s4 =	simm.s32 $0x1BF5;
	[smem:$0x3FBC] =	sst s0  }
0x18: {  	s0 =	sld [smem:$0x3F9F];
	_ =	swait.ge [sflag:s4], $0x0  }
0x19: {  	s7 =	sld [smem:$0x3FA0]  }
0x1a: {  	s8 =	sadd.s32 $0xFFFFE003, lr  }
0x1b: {  	s9 =	sadd.s32 $0xFFFFFEF7, lr;
	s5 =	simm.s32 $0xFFFFFFFF;
	p2 =	slt.u32 s8, $0xFFFFF086  }
0x1c: {  	p1 =	slt.u32 s9, $0xF7A;
	s5 =	simm.s32 @!p2 $0x0  }
0x1d: {  	s5 =	simm.s32 @p1 $0x1;
	p0 =	seq.s32 s7, s2  }
0x1e: {  	s7 =	smul.u32 @!p0 $0xF7A, s2;
	p2 =	seq.s32 @!p0 s5, $0x0  }
0x1f: {  	s9 =	smul.u32 $0xF7A, s1;
	s8 =	simm.s32 @!p0 $0x1BF5;
	p2 =	por !p2, p0  }
0x20: {  	[sflag:s8] =	ssyncset.s32 @!p0 $0xFFFFF086;
	s6 =	sadd.s32 @!p0 s3, s7;
	s7 =	simm.s32 @!p0 $0x108  }
0x21: {  	s3 =	sadd.s32 s3, s9;
	s6 =	sadd.s32 @!p0 $0x88, s6;
	s7 =	simm.s32 @p2 $0x1082  }
0x22: {  	[simem:s7], [sflag:s8] =	dma.local @!p0 [hbm:s6], $0xF7A  }
0x23: {  	s9 =	sor.u32 $0xD0000000, s2;
	s6 =	simm.s32 $0x108;
	_ =	swait.ge @!p0 [sflag:s8], $0x0  }
0x24: {  	s3 =	sadd.s32 $0x88, s3;
	s6 =	simm.s32 @!p1 $0x1082;
	[sflag:s4] =	ssyncset.s32 $0xFFFFF086  }
0x25: {  	[simem:s6], [sflag:s4] =	dma.local [hbm:s3], $0xF7A  }
0x26: {  	[smem:$0x3FA0] =	sst s1;
	(tag) =	ssettag s2;
	_ =	strace s9  }
0x27: {  	s1 =	sld [smem:$0x3FB0]  }
0x28: {  	s2 =	sld [smem:$0x3FB1]  }
0x29: {  	s4 =	sld [smem:$0x3FB3]  }
0x2a: {  	p0 =	seq.s32 s5, $0x0;
	s5 =	sld [smem:$0x3FB4]  }
0x2b: {  	s6 =	sld [smem:$0x3FB5]  }
0x2c: {  	s7 =	sld [smem:$0x3FB6]  }
0x2d: {  	s3 =	simm.s32 $0x108;
	s8 =	sld [smem:$0x3FB7]  }
0x2e: {  	s3 =	simm.s32 @!p0 $0x1082;
	s9 =	sld [smem:$0x3FB8]  }
0x2f: {  	lr =	sadd.s32 s0, s3;
	s0 =	sld [smem:$0x3FAF]  }
0x30: {  	s3 =	sld [smem:$0x3FB2]  }
0x31: {  	[smem:$0x3FBB] =	sst s10  }
0x32: {  	s10 =	sld [smem:$0x3FB9];
	_ =	sdelay $0x3  }
0x33: {  	p0 =	seq.s32 s10, $0x1;
	s10 =	sld [smem:$0x3FBB];
	_ =	sdelay $0x3  }
0x34: {  	[smem:$0x3FBB] =	sst s10  }
0x35: {  	s10 =	sld [smem:$0x3FBA];
	_ =	sdelay $0x3  }
0x36: {  	p1 =	seq.s32 s10, $0x1;
	s10 =	sld [smem:$0x3FBB];
	_ =	sdelay $0x3  }
0x37: {  	[smem:$0x3FBB] =	sst s10  }
0x38: {  	s10 =	sld [smem:$0x3FBC]  }
0x39: {  	_ = 	snop;
	(pc) =	sbr.ind lr, $3  }
0x3a: {  	_ = 	snop  }
0x3b: {  	_ = 	snop  }
0x3c: {  	p2 =	seq.s32 s10, $0x1;
	s10 =	sld [smem:$0x3FBB]  }
0x3d: {  	_ =	shalt  }
0x3e: {  	_ =	shalt  }
0x3f: {  	_ =	shalt  }
0x40: {  	_ =	shalt  }
0x41: {  	_ =	shalt  }
0x42: {  	_ =	shalt  }
0x43: {  	_ =	shalt  }
0x44: {  	_ =	shalt  }
0x45: {  	_ =	shalt  }
0x46: {  	_ =	shalt  }
0x47: {  	_ =	shalt  }
0x48: {  	_ =	shalt  }
0x49: {  	_ =	shalt  }
0x4a: {  	_ =	shalt  }
0x4b: {  	_ =	shalt  }
0x4c: {  	_ =	shalt  }
0x4d: {  	_ =	shalt  }
0x4e: {  	_ =	shalt  }
0x4f: {  	_ =	shalt  }
0x50: {  	_ =	shalt  }
0x51: {  	_ =	shalt  }
0x52: {  	_ =	shalt  }
0x53: {  	_ =	shalt  }
0x54: {  	_ =	shalt  }
0x55: {  	_ =	shalt  }
0x56: {  	_ =	shalt  }
0x57: {  	_ =	shalt  }
0x58: {  	_ =	shalt  }
0x59: {  	_ =	shalt  }
0x5a: {  	_ =	shalt  }
0x5b: {  	_ =	shalt  }
0x5c: {  	_ =	shalt  }
0x5d: {  	_ =	shalt  }
0x5e: {  	_ =	shalt  }
0x5f: {  	_ =	shalt  }
0x60: {  	_ =	shalt  }
0x61: {  	_ =	shalt  }
0x62: {  	_ =	shalt  }
0x63: {  	_ =	shalt  }
0x64: {  	_ =	shalt  }
0x65: {  	_ =	shalt  }
0x66: {  	_ =	shalt  }
0x67: {  	_ =	shalt  }
0x68: {  	_ =	shalt  }
0x69: {  	_ =	shalt  }
0x6a: {  	_ =	shalt  }
0x6b: {  	_ =	shalt  }
0x6c: {  	_ =	shalt  }
0x6d: {  	_ =	shalt  }
0x6e: {  	_ =	shalt  }
0x6f: {  	_ =	shalt  }
0x70: {  	_ =	shalt  }
0x71: {  	_ =	shalt  }
0x72: {  	_ =	shalt  }
0x73: {  	_ =	shalt  }
0x74: {  	_ =	shalt  }
0x75: {  	_ =	shalt  }
0x76: {  	_ =	shalt  }
0x77: {  	_ =	shalt  }
0x78: {  	_ =	shalt  }
0x79: {  	_ =	shalt  }
0x7a: {  	_ =	shalt  }
0x7b: {  	_ =	shalt  }
0x7c: {  	_ =	shalt  }
0x7d: {  	_ =	shalt  }
0x7e: {  	_ =	shalt  }
0x7f: {  	_ =	shalt  }
0x80: {  	_ =	shalt  }
0x81: {  	_ =	shalt  }
0x82: {  	_ =	shalt  }
0x83: {  	_ =	shalt  }
0x84: {  	_ =	shalt  }
0x85: {  	_ =	shalt  }
0x86: {  	_ =	shalt  }
0x87: {  	_ =	shalt  }
.Lfunc_end0:
.L_simem_size_0:
called_computation_lowered:
.L_overlay_start_0:
0x88: {  	s2 =	sld [smem:$0x3FD9]  }
0x89: {  	s3 =	sld [smem:$0x3FFE];
	_ =	sdelay $0x1  }
0x8a: {  	s1 =	srdreg.scid  }
0x8b: {  	s0 =	sand.u32 $0x1, s1  }
0x8c: {  	s17 =	sshll.u32 s0, $0xA;
	s2 =	sadd.s32 s3, s2  }
0x8d: {  	s2 =	sadd.s32 s2, s17  }
0x8e: {  	[smem:$0x3FC7] =	sst s2  }
0x8f: {  	_ = 	snop  }
0x90: {  	s2 =	sld [smem:$0x3FC9]  }
0x91: {  	s18 =	sld [smem:$0x3FD0];
	(tm) =	ssettm $0x1  }
0x92: {  	s4 =	sld [smem:$0x3FFB];
	_ =	sdelay $0x3  }
0x93: {  	_ =	strace s4  }
0x94: {  	s4 =	sld [smem:$0x3FFC];
	_ =	sdelay $0x3  }
0x95: {  	_ =	strace s4  }
0x96: {  	s4 =	sld [smem:$0x3FFD];
	_ =	sdelay $0x3  }
0x97: {  	_ =	strace s4  }
0x98: {  	_ =	strace $0x8FFFFFFF  }
0x99: {  	s19 =	sld [smem:$0x3FDB];
	_ =	sdelay $0x1  }
0x9a: {  	s5 =	simm.s32 $_scs_section_size  }
0x9b: {  	s6 =	simm.s32 $_size__tile_overlayer_lowered;
	s7 =	simm.s32 $_tile_overlayer_lowered  }
0x9c: {  	s22 =	simm.s32 $0x1BFF;
	s21 =	sshll.u32 s7, $0x1;
	s4 =	sadd.s32 s5, s19  }
0x9d: {  	s8 =	simm.s32 $0x0;
	s20 =	sshll.u32 s6, $0x1;
	s6 =	sadd.s32 s21, s4  }
0x9e: {  	[timem:s8], [sflag:s22] =	dma.local [hbm:s6], s20  }
0x9f: {  	_ =	swait.ge [sflag:s22], s20  }
0xa0: {  	s5 =	ssub.s32 $0x0, s20;
	[sflag:s22] =	ssyncset.done $0x0  }
0xa1: {  	[sflag:s22] =	ssyncadd.s32 s5;
	_ =	sdelay $0x1  }
0xa2: {  	s23 =	simm.s32 $0x1B8B  }
0xa3: {  	_ =	swait.ge [sflag:s23], $0x1  }
0xa4: {  	[sflag:s23] =	ssyncset.done $0x0  }
0xa5: {  	s25 =	simm.s32 $0x1B8E;
	s24 =	sld [smem:$0x3FFE];
	[sflag:s23] =	ssyncadd.s32 $0xFFFFFFFF  }
0xa6: {  	s26 =	simm.s32 $execute0_lowered;
	[smem:$0x3FD2] =	sst s25  }
0xa7: {  	s6 =	sshll.u32 s26, $0x1;
	_ =	strace $0x80000046;
	[dreg:$0x1] =	wrdreg $0xFFFFFFFF  }
0xa8: {  	s28 =	simm.s32 $_size_execute0_lowered;
	s4 =	sadd.s32 s4, s6;
	[dreg:$0x0] =	wrdreg $0x0  }
0xa9: {  	s6 =	sshll.u32 s28, $0x1;
	[dreg:$0x2] =	wrdreg s4  }
0xaa: {  	[dreg:$0x3] =	wrdreg s6  }
0xab: {  	[dreg:$0x4] =	wrdreg $0xC0  }
0xac: {  	_ =	task [dreg:s8], $0x5FFFF  }
0xad: {  	[dreg:$0x1] =	wrdreg $0xFFFFFFFF  }
0xae: {  	[dreg:$0x0] =	wrdreg $0x60  }
0xaf: {  	[dreg:$0x2] =	wrdreg s2  }
0xb0: {  	[dreg:$0x3] =	wrdreg s24  }
0xb1: {  	[dreg:$0x4] =	wrdreg s18  }
0xb2: {  	[dreg:$0x5] =	wrdreg $0x9  }
0xb3: {  	_ =	task.clear_ibuf [dreg:s8], $0x6FFFF;
	_ =	strace $0x90000046  }
0xb4: {  	s29 =	simm.s32 $0x9;
	_ =	strace $0x80000048  }
0xb5: {  	_ =	swait.ge [sflag:s29], $0x1  }
0xb6: {  	[sflag:s29] =	ssyncadd.s32 $0xFFFFFFFF  }
0xb7: {  	_ =	strace $0x90000048  }
0xb8: {  	_ =	sfence  }
0xb9: {  	s30 =	sld [smem:$0x0];
	_ =	sdelay $0x2  }
0xba: {  	s31 =	sshll.u32 s1, $0xD;
	s1 =	sshrl.u32 s1, $0x2  }
0xbb: {  	s3 =	sand.u32 $0x4000, s31;
	s1 =	sadd.s32 s1, s30  }
0xbc: {  	s0 =	sor.u32 s3, s0;
	s1 =	sshll.u32 s1, $0x11  }
0xbd: {  	s0 =	sor.u32 s1, s0  }
0xbe: {  	s0 =	sadd.s32 $0x8F2B, s0  }
0xbf: {  	[sflag:s0] =	ssyncadd.remote.s32 $0x1  }
0xc0: {  	_ =	sfence.sel $0xFFFF  }
0xc1: {  	[dreg:$0x0] =	wrdreg $0xFFFFFFFF;
	(pc) =	sbr.abs _section_cstart, $3  }
0xc2: {  	[dreg:$0x1] =	wrdreg $0xFFFFFFFF  }
0xc3: {  	_ =	task.clear_ibuf [dreg:s8], $0x2FFFF;
	_ =	strace $0x9FFFFFFF  }
0xc4: {  	(tm) =	ssettm $0x7FFFFFFF  }
0xc5: {  	_ =	shalt  }
tec
execute0_lowered:
.L_overlay_start_1:
0x0: {  	(tag) =	ssettag $0x1  }
0x1: {  	s0 =	rddreg [dreg:$0x0]  }
0x2: {  	s5 =	rddreg [dreg:$0x2]  }
0x3: {  	s1 =	srdreg.scid;
	s3 =	stileid.u32  }
0x4: {  	s4 =	simm.s32 $0x0;
	s1 =	sand.u32 $0x1, s1;
	s3 =	sshll.u32 s3, $0xC  }
0x5: {  	[smem:$0x7FF] =	sst s4;
	s24 =	sadd.s32 $0x10000, s5;
	s26 =	sadd.s32 $0x20000, s5  }
0x6: {  	s30 =	sadd.s32 $0x30000, s5;
	_ =	strace $0x80000047;
	[dreg:$0xa] =	wrdreg s24  }
0x7: {  	s2 =	ssub.s32 $0x2, s1;
	s1 =	sshll.u32 s1, $0x6;
	[dreg:$0xc] =	wrdreg s26  }
0x8: {  	[dreg:$0xe] =	wrdreg s30;
	s3 =	sor.u32 s1, s3  }
0x9: {  	[dreg:$0x4] =	wrdreg s3;
	s0 =	sadd.s32 s0, s3  }
0xa: {  	s20 =	sadd.s32 $0x10000, s0;
	[dreg:$0x5] =	wrdreg s0  }
0xb: {  	s21 =	sadd.s32 $0x20000, s0;
	[dreg:$0x6] =	wrdreg s20  }
0xc: {  	s29 =	simm.s32 $0x6;
	s22 =	sadd.s32 $0x30000, s0;
	[dreg:$0x7] =	wrdreg s21  }
0xd: {  	s18 =	sshrl.u32 s2, $0x1;
	s23 =	sadd.s32 $0x40000, s0;
	[dreg:$0x8] =	wrdreg s22  }
0xe: {  	s1 =	simm.s32 $0x0;
	s25 =	sadd.s32 $0x50000, s0;
	[dreg:$0x9] =	wrdreg s23  }
.Ltmp0:
0xf: {  	s28 =	sadd.s32 $0x60000, s0;
	[dreg:$0xb] =	wrdreg s25;
	(pc) =	sbr.rel .LBB2_1-.Ltmp0, $4  }
0x10: {  	s19 =	ssub.s32 s2, s18;
	s0 =	sadd.s32 $0x70000, s0;
	[dreg:$0xd] =	wrdreg s28  }
0x11: {  	s18 =	simm.s32 $0x200;
	s31 =	smax.u32 s19, $0x1;
	[dreg:$0xf] =	wrdreg s0  }
0x12: {  	s19 =	simm.s32 $0x400;
	[dreg:$0x10] =	wrdreg s31;
	s20 =	simm.s32 $0x1000  }
0x13: {  	s21 =	simm.s32 $0x5000;
	s22 =	simm.s32 $0x9000;
	s23 =	simm.s32 $0xD000  }
.LBB2_16:
0x14: {  	s0 =	simm.s32 $0x5  }
0x15: {  	_ =	swait.ge [sflag:s0], $0x4000  }
0x16: {  	[sflag:s0] =	ssyncset.done $0x0  }
0x17: {  	[sflag:s0] =	ssyncadd.s32 $0xFFFFC000  }
0x18: {  	_ =	swait.ge [sflag:s29], $0x4000  }
0x19: {  	s1 =	rddreg [dreg:$0x11]  }
0x1a: {  	s31 =	rddreg [dreg:$0x10];
	s1 =	sadd.s32 $0x1, s1  }
0x1b: {  	p0 =	sne.s32 s1, s31  }
.Ltmp1:
0x1c: {  	_ = 	snop;
	(pc) =	sbr.rel @!p0 .LBB2_17-.Ltmp1, $3  }
0x1d: {  	_ =	sdelay $0x1  }
0x1e: {  	[sflag:s29] =	ssyncset.done $0x0  }
0x1f: {  	[sflag:s29] =	ssyncadd.s32 $0xFFFFC000  }
.LBB2_1:
0x20: {  	[dreg:$0x11] =	wrdreg s1  }
0x21: {  	s0 =	rddreg [dreg:$0x5]  }
0x22: {  	[tilespmem:s20], [sflag:$0x1] =	stream.strided.gather [hbm4b:s0+s18], $0x4000, s19, s18, $0x38;
	[tilespmem:$0x19000] =	vst v63  }
0x23: {  	s24 =	rddreg [dreg:$0x6]  }
0x24: {  	[tilespmem:s21], [sflag:$0x2] =	stream.strided.gather [hbm4b:s24+s18], $0x4000, s19, s18, $0x38;
	[tilespmem:$0x19000] =	vst v63  }
0x25: {  	s25 =	rddreg [dreg:$0x7]  }
0x26: {  	[tilespmem:s22], [sflag:$0x3] =	stream.strided.gather [hbm4b:s25+s18], $0x4000, s19, s18, $0x38;
	[tilespmem:$0x19000] =	vst v63  }
0x27: {  	s26 =	rddreg [dreg:$0x8]  }
0x28: {  	[tilespmem:s23], [sflag:$0x4] =	stream.strided.gather [hbm4b:s26+s18], $0x4000, s19, s18, $0x38;
	[tilespmem:$0x19000] =	vst v63  }
0x29: {  	s28 =	rddreg [dreg:$0x1];
	s30 =	simm.s32 $0x0;
	s31 =	simm.s32 $0x7  }
0x2a: {  	[tilespmem:s30], [sflag:$0x7] =	stream.linear.gather [hbm4b:s28+s30], $0x1000, $0x38;
	[tilespmem:$0x19000] =	vst v63  }
0x2b: {  	_ =	swait.ge [sflag:s31], $0x1000  }
0x2c: {  	[sflag:s31] =	ssyncset.done $0x0  }
0x2d: {  	s4 =	simm.s32 $0x0;
	[sflag:s31] =	ssyncadd.s32 $0xFFFFF000  }
.LBB2_2:
0x2e: {  	s0 =	simm.s32 $0x1  }
0x2f: {  	_ =	swait.ge [sflag:s0], $0x4000  }
0x30: {  	p0 =	seq.s32 s4, $0x0;
	[sflag:s0] =	ssyncset.done $0x0  }
0x31: {  	s5 =	simm.s32 $0x0;
	s1 =	simm.s32 @!p0 $0x5;
	[sflag:s0] =	ssyncadd.s32 $0xFFFFC000  }
0x32: {  	s3 =	sand.u32 $0x40, s5;
	_ =	swait.ge @!p0 [sflag:s1], $0x4000  }
0x33: {  	s6 =	sand.u32 $0xF80, s5;
	s7 =	sor.u32 $0x30, s3;
	[sflag:s1] =	ssyncset.done @!p0 $0x0  }
0x34: {  	s14 =	sor.u32 s7, s6;
	[sflag:s1] =	ssyncadd.s32 @!p0 $0xFFFFC000  }
0x35: {  	s10 =	sor.u32 $0x10, s3;
	v0 =	vld [tilespmem:s14+$0x0]  }
0x36: {  	s11 =	sor.u32 $0x20, s3;
	s15 =	sor.u32 s10, s6  }
0x37: {  	s16 =	sor.u32 s11, s6;
	v1 =	vld [tilespmem:s15+$0x0]  }
0x38: {  	v2 =	vld [tilespmem:s16+$0x0];
	_ =	sdelay $0x1  }
0x39: {  	v3 =	vshll.u32 v0, $0x2  }
0x3a: {  	v0 =	vand.u32 $0x7F, v0;
	v3 =	vand.u32 $0xFFFFFE00, v3  }
0x3b: {  	v0 =	vor.u32 v0, v3;
	v3 =	vshll.u32 v1, $0x2  }
0x3c: {  	v4 =	vshll.u32 v2, $0x2;
	v1 =	vand.u32 $0x7F, v1;
	v3 =	vand.u32 $0xFFFFFE00, v3  }
0x3d: {  	v2 =	vand.u32 $0x7F, v2;
	v1 =	vor.u32 v1, v3;
	v3 =	vand.u32 $0xFFFFFE00, v4  }
0x3e: {  	s25 =	simm.s32 $0x40;
	v2 =	vor.u32 v2, v3  }
0x3f: {  	s24 =	simm.s32 $0x0;
	s1 =	sand.u32 $0x40, s25  }
0x40: {  	s12 =	sand.u32 $0xF80, s25;
	v6 =	vld [tilespmem:s24+$0x0];
	s0 =	sor.u32 $0x30, s1  }
0x41: {  	s8 =	sor.u32 s0, s12;
	v3 =	vld.idx.msk [tilespmem:v0+s20+$0x0], $0xffff  }
0x42: {  	s17 =	sand.u32 $0x3E00, s5;
	v9 =	vld [tilespmem:s8+$0x0];
	v4 =	vor.u32 $0x80, v0  }
0x43: {  	s9 =	sadd.s32 $0x11000, s17;
	v7 =	vld.idx.msk [tilespmem:v2+s20+$0x0], $0xffff  }
0x44: {  	s26 =	sor.u32 s7, s9;
	s7 =	sor.u32 $0x10, s1;
	v8 =	vor.u32 $0x80, v2;
	v5 =	vld.idx.msk [tilespmem:v1+s20+$0x0], $0xffff  }
0x45: {  	s13 =	sor.u32 s7, s12  }
0x46: {  	s2 =	sor.u32 $0x20, s1;
	v10 =	vld [tilespmem:s13+$0x0];
	[tilespmem:s26+$0x0] =	vst v3;
	v3 =	vor.u32 $0x80, v1  }
0x47: {  	s11 =	sor.u32 s11, s9;
	s12 =	sor.u32 s2, s12;
	v11 =	vshll.u32 v6, $0x2;
	v4 =	vld.idx.msk [tilespmem:v4+s20+$0x0], $0xffff  }
0x48: {  	s10 =	sor.u32 s10, s9;
	v13 =	vld [tilespmem:s12+$0x0];
	v6 =	vand.u32 $0x7F, v6;
	v11 =	vand.u32 $0xFFFFFE00, v11;
	v12 =	vor.u32 $0x100, v0;
	[tilespmem:s11+$0x0] =	vst v7  }
0x49: {  	[tilespmem:s10+$0x0] =	vst v5;
	v5 =	vor.u32 v6, v11;
	v11 =	vshll.u32 v9, $0x2;
	v8 =	vld.idx.msk [tilespmem:v8+s20+$0x0], $0xffff  }
0x4a: {  	v9 =	vand.u32 $0x7F, v9;
	v7 =	vor.u32 $0x100, v2;
	v11 =	vand.u32 $0xFFFFFE00, v11  }
0x4b: {  	p1 =	por $0x0, $0x0;
	s5 =	simm.s32 $0x1;
	v9 =	vor.u32 v9, v11;
	v3 =	vld.idx.msk [tilespmem:v3+s20+$0x0], $0xffff  }
0x4c: {  	s5 =	simm.s32 @!p1 $0x0;
	[tilespmem:s26+$0x80] =	vst v4  }
0x4d: {  	s17 =	simm.s32 $0x100;
	s5 =	sshll.u32 s5, $0x6;
	v0 =	vor.u32 $0x180, v0;
	v6 =	vor.u32 $0x100, v1;
	v4 =	vshll.u32 v10, $0x2;
	s26 =	simm.s32 $0x80;
	v12 =	vld.idx.msk [tilespmem:v12+s20+$0x0], $0xffff  }
0x4e: {  	s3 =	sor.u32 s3, s9;
	s5 =	sadd.s32 $0x0, s5;
	v11 =	vshll.u32 v13, $0x2;
	v10 =	vand.u32 $0x7F, v10;
	v4 =	vand.u32 $0xFFFFFE00, v4;
	v14 =	vld.idx.msk [tilespmem:v5+s20+$0x0], $0xffff;
	s9 =	sand.u32 $0x40, s26;
	[tilespmem:s11+$0x80] =	vst v8  }
0x4f: {  	s24 =	sand.u32 $0x3E00, s17;
	v11 =	vand.u32 $0xFFFFFE00, v11;
	s13 =	sand.u32 $0xF80, s26;
	v4 =	vor.u32 v10, v4;
	v10 =	vand.u32 $0x7F, v13;
	s17 =	sor.u32 $0x30, s9;
	v7 =	vld.idx.msk [tilespmem:v7+s20+$0x0], $0xffff  }
0x50: {  	s11 =	sadd.s32 $0x30, s5;
	s15 =	sor.u32 s17, s13;
	[tilespmem:s10+$0x80] =	vst v3;
	v3 =	vor.u32 v10, v11;
	v10 =	vld.idx.msk [tilespmem:v9+s20+$0x0], $0xffff  }
0x51: {  	v8 =	vor.u32 $0x80, v5;
	s16 =	sor.u32 $0x100, s11;
	v16 =	vld [tilespmem:s15+$0x0]  }
0x52: {  	s25 =	simm.s32 $0x40;
	v6 =	vld.idx.msk [tilespmem:v6+s20+$0x0], $0xffff;
	[tilespmem:s16+$0x11000] =	vst v12  }
0x53: {  	[tilespmem:s3+$0x0] =	vst v14;
	v14 =	vld [tilespmem:s25+$0x0]  }
0x54: {  	v11 =	vld.idx.msk [tilespmem:v0+s20+$0x0], $0xffff;
	v0 =	vor.u32 $0x80, v9  }
0x55: {  	v1 =	vor.u32 $0x180, v1;
	s10 =	sadd.s32 $0x11000, s24;
	v12 =	vld.idx.msk [tilespmem:v4+s20+$0x0], $0xffff  }
0x56: {  	s14 =	sadd.s32 $0x10, s5;
	s6 =	sor.u32 $0x10, s9;
	s0 =	sor.u32 s0, s10;
	v8 =	vld.idx.msk [tilespmem:v8+s20+$0x0], $0xffff  }
0x57: {  	s16 =	sor.u32 $0x100, s14;
	s25 =	sor.u32 s6, s13;
	v13 =	vld.idx.msk [tilespmem:v3+s20+$0x0], $0xffff;
	[tilespmem:s0+$0x0] =	vst v10;
	v10 =	vor.u32 $0x80, v4  }
0x58: {  	v15 =	vor.u32 $0x80, v3;
	[tilespmem:s16+$0x11000] =	vst v6;
	v6 =	vld [tilespmem:s25+$0x0]  }
0x59: {  	v17 =	vor.u32 $0x100, v5;
	s24 =	sor.u32 $0x20, s9;
	v0 =	vld.idx.msk [tilespmem:v0+s20+$0x0], $0xffff  }
0x5a: {  	v19 =	vor.u32 $0x100, v9;
	s15 =	sor.u32 s7, s10;
	s13 =	sor.u32 s24, s13;
	v18 =	vld.idx.msk [tilespmem:v1+s20+$0x0], $0xffff;
	v1 =	vshll.u32 v14, $0x2  }
0x5b: {  	v2 =	vor.u32 $0x180, v2;
	v20 =	vld [tilespmem:s13+$0x0];
	s16 =	sor.u32 s2, s10;
	v14 =	vand.u32 $0x7F, v14;
	v1 =	vand.u32 $0xFFFFFE00, v1;
	[tilespmem:s15+$0x0] =	vst v12  }
0x5c: {  	v12 =	vor.u32 v14, v1;
	v1 =	vld.idx.msk [tilespmem:v10+s20+$0x0], $0xffff;
	[tilespmem:s16+$0x0] =	vst v13  }
0x5d: {  	p1 =	por !p1, !p1;
	s12 =	simm.s32 $0x1;
	s2 =	sadd.s32 $0x20, s5;
	v14 =	vor.u32 $0x100, v3;
	[tilespmem:s3+$0x80] =	vst v8;
	v8 =	vshll.u32 v16, $0x2;
	v10 =	vor.u32 $0x100, v4;
	v15 =	vld.idx.msk [tilespmem:v15+s20+$0x0], $0xffff  }
0x5e: {  	s12 =	simm.s32 @!p1 $0x0;
	s8 =	sor.u32 $0x100, s2;
	v21 =	vld.idx.msk [tilespmem:v17+s20+$0x0], $0xffff;
	v13 =	vand.u32 $0x7F, v16;
	v8 =	vand.u32 $0xFFFFFE00, v8;
	[tilespmem:s0+$0x80] =	vst v0;
	v0 =	vshll.u32 v6, $0x2  }
0x5f: {  	s26 =	sshll.u32 s12, $0x6;
	s11 =	sor.u32 $0x180, s11;
	[tilespmem:s8+$0x11000] =	vst v7;
	v7 =	vld.idx.msk [tilespmem:v19+s20+$0x0], $0xffff;
	v16 =	vand.u32 $0xFFFFFE00, v0;
	v0 =	vor.u32 v13, v8  }
0x60: {  	s31 =	simm.s32 $0x80;
	s28 =	sadd.s32 $0x100, s26;
	s25 =	rddreg [dreg:$0x4];
	[tilespmem:s11+$0x11000] =	vst v11;
	v8 =	vshll.u32 v20, $0x2;
	v19 =	vld.idx.msk [tilespmem:v2+s20+$0x0], $0xffff;
	v2 =	vand.u32 $0x7F, v6;
	v6 =	vor.u32 $0x180, v9  }
0x61: {  	s12 =	sor.u32 $0x100, s5;
	s26 =	sadd.s32 $0x30, s28;
	s7 =	sshll.u32 s4, $0x12;
	v22 =	vld.idx.msk [tilespmem:v12+s20+$0x0], $0xffff;
	v8 =	vand.u32 $0xFFFFFE00, v8;
	v23 =	vor.u32 v2, v16;
	v2 =	vand.u32 $0x7F, v20;
	[tilespmem:s15+$0x80] =	vst v1  }
0x62: {  	s14 =	sor.u32 $0x180, s14;
	s3 =	sor.u32 $0x180, s5;
	s5 =	simm.s32 $0x200;
	v20 =	vor.u32 v2, v8;
	v13 =	vld.idx.msk [tilespmem:v10+s20+$0x0], $0xffff;
	[tilespmem:s16+$0x80] =	vst v15  }
0x63: {  	v3 =	vor.u32 $0x180, v3;
	s0 =	sadd.s32 $0x10, s28;
	[tilespmem:s14+$0x11000] =	vst v18;
	s15 =	sor.u32 $0x180, s2;
	s2 =	sor.u32 $0x100, s26;
	v14 =	vld.idx.msk [tilespmem:v14+s20+$0x0], $0xffff  }
0x64: {  	v4 =	vor.u32 $0x180, v4;
	s11 =	simm.s32 $0x8;
	v9 =	vor.u32 $0x80, v12;
	s14 =	sadd.s32 $0x20, s28;
	s30 =	sor.u32 $0x100, s0;
	v1 =	vor.u32 $0x180, v5;
	v17 =	vld.idx.msk [tilespmem:v0+s20+$0x0], $0xffff;
	[tilespmem:s2+$0x11000] =	vst v7  }
0x65: {  	s13 =	sor.u32 $0x180, s0;
	s8 =	sor.u32 s7, s25;
	v5 =	vor.u32 $0x100, v12;
	s25 =	sor.u32 $0x100, s14;
	[tilespmem:s12+$0x11000] =	vst v21;
	v2 =	vor.u32 $0x180, v12;
	v10 =	vor.u32 $0x80, v23;
	v16 =	vld.idx.msk [tilespmem:v6+s20+$0x0], $0xffff  }
0x66: {  	s12 =	sor.u32 $0x180, s28;
	s16 =	sor.u32 s1, s10;
	s10 =	sor.u32 $0x100, s28;
	v11 =	vor.u32 $0x180, v23;
	v12 =	vor.u32 $0x80, v20;
	[tilespmem:s15+$0x11000] =	vst v19;
	v19 =	vor.u32 $0x80, v0;
	v15 =	vld.idx.msk [tilespmem:v23+s20+$0x0], $0xffff  }
0x67: {  	s1 =	sor.u32 $0x180, s14;
	s28 =	sand.u32 $0x3E00, s5;
	s14 =	simm.s32 $0xC0;
	v8 =	vor.u32 $0x180, v20;
	v7 =	vor.u32 $0x100, v20;
	[tilespmem:s16+$0x0] =	vst v22;
	v6 =	vor.u32 $0x100, v23;
	v18 =	vld.idx.msk [tilespmem:v20+s20+$0x0], $0xffff  }
.LBB2_3:
0x68: {  	s2 =	sand.u32 $0xF80, s14;
	v20 =	vld [tilespmem:s31+$0x0];
	s28 =	sadd.s32 $0x11000, s28;
	[tilespmem:s30+$0x11000] =	vst v13;
	s15 =	smov.u32 s3  }
0x69: {  	s3 =	sand.u32 $0x40, s14;
	s11 =	sadd.s32 $0x4, s11;
	s30 =	sor.u32 s17, s28;
	v13 =	vld.idx.msk [tilespmem:v9+s20+$0x0], $0xffff;
	[tilespmem:s25+$0x11000] =	vst v14  }
0x6a: {  	s17 =	sor.u32 $0x30, s3;
	p2 =	slt.u32 s11, $0xFC;
	s25 =	sor.u32 $0x180, s26;
	[tilespmem:s30+$0x0] =	vst v17;
	v14 =	vld.idx.msk [tilespmem:v4+s20+$0x0], $0xffff;
	v4 =	vmov v11  }
0x6b: {  	s26 =	sor.u32 $0x10, s3;
	s31 =	sor.u32 $0x20, s3;
	s0 =	sor.u32 s17, s2;
	v11 =	vld.idx.msk [tilespmem:v19+s20+$0x0], $0xffff;
	[tilespmem:s25+$0x11000] =	vst v16  }
0x6c: {  	s25 =	sor.u32 s26, s2;
	s2 =	sor.u32 s31, s2;
	v16 =	vld [tilespmem:s0+$0x0];
	s0 =	sor.u32 s9, s28  }
0x6d: {  	s9 =	smov.u32 s3;
	v17 =	vld [tilespmem:s25+$0x0];
	v9 =	vand.u32 $0x7F, v20;
	v19 =	vshll.u32 v20, $0x2;
	s25 =	sor.u32 s6, s28;
	s28 =	sor.u32 s24, s28;
	v20 =	vor.u32 $0x100, v0  }
0x6e: {  	s3 =	smov.u32 s12;
	s6 =	smov.u32 s26;
	s24 =	smov.u32 s31;
	v21 =	vld [tilespmem:s2+$0x0];
	v19 =	vand.u32 $0xFFFFFE00, v19;
	[tilespmem:s25+$0x0] =	vst v15  }
0x6f: {  	v15 =	vor.u32 v9, v19;
	v10 =	vld.idx.msk [tilespmem:v10+s20+$0x0], $0xffff;
	[tilespmem:s28+$0x0] =	vst v18  }
0x70: {  	v9 =	vor.u32 $0x80, v15;
	v18 =	vor.u32 $0x100, v15;
	v19 =	vor.u32 $0x180, v15;
	v12 =	vld.idx.msk [tilespmem:v12+s20+$0x0], $0xffff;
	[tilespmem:s16+$0x80] =	vst v13;
	s16 =	smov.u32 s0  }
0x71: {  	p1 =	por !p1, !p1;
	s0 =	simm.s32 $0x1;
	v13 =	vshll.u32 v16, $0x2;
	[tilespmem:s30+$0x80] =	vst v11;
	v22 =	vld.idx.msk [tilespmem:v5+s20+$0x0], $0xffff;
	v5 =	vmov v18  }
0x72: {  	v16 =	vand.u32 $0x7F, v16;
	s0 =	simm.s32 @!p1 $0x0;
	v11 =	vshll.u32 v17, $0x2;
	v13 =	vand.u32 $0xFFFFFE00, v13;
	v18 =	vld.idx.msk [tilespmem:v20+s20+$0x0], $0xffff;
	[tilespmem:s13+$0x11000] =	vst v14  }
0x73: {  	s0 =	sshll.u32 s0, $0x6;
	v11 =	vand.u32 $0xFFFFFE00, v11;
	v14 =	vshll.u32 v21, $0x2;
	v16 =	vor.u32 v16, v13;
	v20 =	vld.idx.msk [tilespmem:v3+s20+$0x0], $0xffff;
	v3 =	vmovc v8  }
0x74: {  	v8 =	vand.u32 $0x7F, v17;
	s0 =	sadd.s32 s0, s5;
	v13 =	vand.u32 $0xFFFFFE00, v14;
	v23 =	vld.idx.msk [tilespmem:v15+s20+$0x0], $0xffff;
	v15 =	vor.u32 $0x180, v0;
	v0 =	vmovc v16  }
0x75: {  	v24 =	vor.u32 v8, v11;
	v8 =	vand.u32 $0x7F, v21;
	s2 =	sadd.s32 $0x10, s0;
	[tilespmem:s25+$0x80] =	vst v10;
	v21 =	vld.idx.msk [tilespmem:v1+s20+$0x0], $0xffff;
	v1 =	vmovc v2;
	v2 =	vmov v19  }
0x76: {  	s12 =	sadd.s32 $0x20, s0;
	s26 =	sadd.s32 $0x30, s0;
	v10 =	vor.u32 $0x80, v24;
	v25 =	vor.u32 v8, v13;
	s30 =	sor.u32 $0x100, s2;
	v13 =	vld.idx.msk [tilespmem:v6+s20+$0x0], $0xffff;
	v6 =	vor.u32 $0x100, v24;
	[tilespmem:s28+$0x80] =	vst v12  }
.Ltmp2:
0x77: {  	v11 =	vor.u32 $0x180, v24;
	s25 =	sor.u32 $0x100, s12;
	v12 =	vor.u32 $0x80, v25;
	s28 =	sor.u32 $0x100, s26;
	v14 =	vld.idx.msk [tilespmem:v7+s20+$0x0], $0xffff;
	v7 =	vor.u32 $0x100, v25;
	[tilespmem:s10+$0x11000] =	vst v22;
	(pc) =	sbr.rel @p2 .LBB2_3-.Ltmp2, $4  }
0x78: {  	s13 =	sor.u32 $0x180, s2;
	s2 =	sor.u32 $0x180, s12;
	v8 =	vor.u32 $0x180, v25;
	s10 =	sor.u32 $0x100, s0;
	v17 =	vld.idx.msk [tilespmem:v16+s20+$0x0], $0xffff;
	[tilespmem:s28+$0x11000] =	vst v18  }
0x79: {  	s12 =	sor.u32 $0x180, s0;
	v16 =	vld.idx.msk [tilespmem:v15+s20+$0x0], $0xffff;
	[tilespmem:s1+$0x11000] =	vst v20;
	s1 =	smov.u32 s2  }
0x7a: {  	s5 =	sadd.s32 $0x100, s5;
	v19 =	vor.u32 $0x80, v0;
	v15 =	vld.idx.msk [tilespmem:v24+s20+$0x0], $0xffff;
	[tilespmem:s16+$0x0] =	vst v23  }
0x7b: {  	s14 =	sadd.s32 $0x40, s14;
	s31 =	sshra.s32 s5, $0x2;
	s28 =	sand.u32 $0x3E00, s5;
	v18 =	vld.idx.msk [tilespmem:v25+s20+$0x0], $0xffff;
	[tilespmem:s15+$0x11000] =	vst v21  }
0x7c: {  	v20 =	vld [tilespmem:s31+$0x0];
	_ =	sdelay $0x4  }
0x7d: {  	v21 =	vshll.u32 v20, $0x2  }
0x7e: {  	v20 =	vand.u32 $0x7F, v20;
	v21 =	vand.u32 $0xFFFFFE00, v21  }
0x7f: {  	v20 =	vor.u32 v20, v21;
	_ =	sdelay $0x3  }
0x80: {  	s0 =	sadd.s32 $0x11000, s28;
	[tilespmem:s30+$0x11000] =	vst v13  }
0x81: {  	[tilespmem:s25+$0x11000] =	vst v14;
	s2 =	sor.u32 s17, s0;
	v51 =	vld.idx.msk [tilespmem:v20+s20+$0x0], $0xffff  }
0x82: {  	v9 =	vld.idx.msk [tilespmem:v9+s20+$0x0], $0xffff;
	s14 =	sor.u32 $0x180, s26;
	[tilespmem:s2+$0x0] =	vst v17;
	v52 =	vor.u32 $0x80, v20  }
0x83: {  	v1 =	vld.idx.msk [tilespmem:v1+s20+$0x0], $0xffff;
	s11 =	sor.u32 s24, s0;
	[tilespmem:s14+$0x11000] =	vst v16  }
0x84: {  	s6 =	sor.u32 s6, s0;
	v17 =	vld.idx.msk [tilespmem:v19+s20+$0x0], $0xffff;
	[tilespmem:s11+$0x0] =	vst v18  }
0x85: {  	v53 =	vor.u32 $0x100, v0;
	s0 =	sor.u32 s9, s0;
	[tilespmem:s6+$0x0] =	vst v15;
	v12 =	vld.idx.msk [tilespmem:v12+s20+$0x0], $0xffff  }
0x86: {  	v10 =	vld.idx.msk [tilespmem:v10+s20+$0x0], $0xffff;
	[tilespmem:s0+$0x0] =	vst v51  }
0x87: {  	[tilespmem:s16+$0x80] =	vst v9;
	v54 =	vld.idx.msk [tilespmem:v52+s20+$0x0], $0xffff  }
0x88: {  	v4 =	vld.idx.msk [tilespmem:v4+s20+$0x0], $0xffff;
	[tilespmem:s3+$0x11000] =	vst v1;
	v55 =	vor.u32 $0x100, v20  }
0x89: {  	p1 =	por !p1, !p1;
	v5 =	vld.idx.msk [tilespmem:v5+s20+$0x0], $0xffff;
	[tilespmem:s2+$0x80] =	vst v17;
	s2 =	simm.s32 $0x1  }
0x8a: {  	v56 =	vld.idx.msk [tilespmem:v53+s20+$0x0], $0xffff;
	s2 =	simm.s32 @!p1 $0x0;
	[tilespmem:s11+$0x80] =	vst v12  }
0x8b: {  	v57 =	vor.u32 $0x180, v0;
	[tilespmem:s6+$0x80] =	vst v10;
	s2 =	sshll.u32 s2, $0x6;
	v58 =	vld.idx.msk [tilespmem:v7+s20+$0x0], $0xffff  }
0x8c: {  	v6 =	vld.idx.msk [tilespmem:v6+s20+$0x0], $0xffff;
	s2 =	sadd.s32 s2, s5;
	[tilespmem:s0+$0x80] =	vst v54  }
0x8d: {  	[tilespmem:s13+$0x11000] =	vst v4;
	s5 =	sadd.s32 $0x30, s2;
	v59 =	vld.idx.msk [tilespmem:v55+s20+$0x0], $0xffff  }
0x8e: {  	v3 =	vld.idx.msk [tilespmem:v3+s20+$0x0], $0xffff;
	v60 =	vor.u32 $0x180, v20;
	[tilespmem:s10+$0x11000] =	vst v5;
	s15 =	sadd.s32 $0x20, s2;
	s14 =	sor.u32 $0x100, s5  }
0x8f: {  	s13 =	sadd.s32 $0x10, s2;
	v2 =	vld.idx.msk [tilespmem:v2+s20+$0x0], $0xffff;
	s17 =	sor.u32 $0x100, s15;
	[tilespmem:s14+$0x11000] =	vst v56  }
0x90: {  	s16 =	sor.u32 $0x100, s13;
	v0 =	vld.idx.msk [tilespmem:v57+s20+$0x0], $0xffff;
	[tilespmem:s17+$0x11000] =	vst v58  }
0x91: {  	s24 =	sor.u32 $0x100, s2;
	[tilespmem:s16+$0x11000] =	vst v6;
	v62 =	vld.idx.msk [tilespmem:v8+s20+$0x0], $0xffff  }
0x92: {  	v61 =	vld.idx.msk [tilespmem:v11+s20+$0x0], $0xffff;
	[tilespmem:s24+$0x11000] =	vst v59  }
0x93: {  	[tilespmem:s1+$0x11000] =	vst v3;
	v63 =	vld.idx.msk [tilespmem:v60+s20+$0x0], $0xffff  }
0x94: {  	p1 =	sne.s32 s4, $0xF;
	s25 =	sor.u32 $0x180, s5;
	[tilespmem:s12+$0x11000] =	vst v2  }
.Ltmp3:
0x95: {  	s26 =	sor.u32 $0x180, s15;
	[tilespmem:s25+$0x11000] =	vst v0;
	(pc) =	sbr.rel @p1 .LBB2_6-.Ltmp3, $4  }
0x96: {  	[tilespmem:s26+$0x11000] =	vst v62;
	s0 =	sor.u32 $0x180, s13  }
0x97: {  	s30 =	rddreg [dreg:$0x2];
	s28 =	sor.u32 $0x180, s2;
	[tilespmem:s0+$0x11000] =	vst v61  }
0x98: {  	s31 =	simm.s32 $0x11000;
	s0 =	sadd.s32 s30, s8;
	[tilespmem:s28+$0x11000] =	vst v63  }
0x99: {  	[hbm4b:s0+s18] =	stream.strided.scatter [tilespmem:s31], [sflag:$0x5], $0x4000, s19, s18, $0x38;
	[tilespmem:$0x19000] =	vst v63  }
.Ltmp4:
0x9a: {  	(pc) =	sbr.rel .LBB2_7-.Ltmp4, $4  }
0x9b: {  	s0 =	simm.s32 $0x2  }
0x9c: {  	_ =	swait.ge [sflag:s0], $0x4000  }
0x9d: {  	[sflag:s0] =	ssyncset.done $0x0  }
0x9e: {  	[sflag:s0] =	ssyncadd.s32 $0xFFFFC000  }
.LBB2_6:
0x9f: {  	s0 =	rddreg [dreg:$0x9]  }
.Ltmp5:
0xa0: {  	s31 =	simm.s32 $0x2;
	s0 =	sadd.s32 s7, s0;
	(pc) =	sbr.rel @p0 .LBB2_8-.Ltmp5, $4  }
0xa1: {  	[tilespmem:s20], [sflag:$0x1] =	stream.strided.gather [hbm4b:s0+s18], $0x4000, s19, s18, $0x38;
	[tilespmem:$0x19000] =	vst v63  }
0xa2: {  	_ =	swait.ge [sflag:s31], $0x4000  }
0xa3: {  	[sflag:s31] =	ssyncset.done $0x0  }
0xa4: {  	[sflag:s31] =	ssyncadd.s32 $0xFFFFC000  }
.LBB2_7:
0xa5: {  	_ =	swait.ge [sflag:s29], $0x4000  }
0xa6: {  	[sflag:s29] =	ssyncset.done $0x0  }
0xa7: {  	[sflag:s29] =	ssyncadd.s32 $0xFFFFC000  }
.LBB2_8:
0xa8: {  	s0 =	simm.s32 $0x0  }
0xa9: {  	s3 =	sand.u32 $0x40, s0  }
0xaa: {  	s1 =	sand.u32 $0xF80, s0;
	s2 =	sor.u32 $0x30, s3  }
0xab: {  	s5 =	sor.u32 s2, s1  }
0xac: {  	s26 =	sor.u32 $0x10, s3;
	v0 =	vld [tilespmem:s5+$0x0]  }
0xad: {  	s12 =	sor.u32 $0x20, s3;
	s6 =	sor.u32 s26, s1  }
0xae: {  	s1 =	sor.u32 s12, s1;
	v1 =	vld [tilespmem:s6+$0x0]  }
0xaf: {  	v2 =	vld [tilespmem:s1+$0x0];
	_ =	sdelay $0x1  }
0xb0: {  	v3 =	vshll.u32 v0, $0x2  }
0xb1: {  	v0 =	vand.u32 $0x7F, v0;
	v3 =	vand.u32 $0xFFFFFE00, v3  }
0xb2: {  	v0 =	vor.u32 v0, v3;
	v3 =	vshll.u32 v1, $0x2  }
0xb3: {  	v4 =	vshll.u32 v2, $0x2;
	v1 =	vand.u32 $0x7F, v1;
	v3 =	vand.u32 $0xFFFFFE00, v3  }
0xb4: {  	v2 =	vand.u32 $0x7F, v2;
	v1 =	vor.u32 v1, v3;
	v3 =	vand.u32 $0xFFFFFE00, v4  }
0xb5: {  	v2 =	vor.u32 v2, v3;
	_ =	sdelay $0x1  }
0xb6: {  	s11 =	simm.s32 $0x0;
	s13 =	simm.s32 $0x40;
	v3 =	vld.idx.msk [tilespmem:v0+s21+$0x0], $0xffff  }
0xb7: {  	v6 =	vld [tilespmem:s11+$0x0];
	s1 =	sand.u32 $0x40, s13;
	v4 =	vor.u32 $0x80, v0  }
0xb8: {  	s0 =	sand.u32 $0x3E00, s0;
	s14 =	sand.u32 $0xF80, s13;
	s15 =	sor.u32 $0x30, s1;
	v5 =	vld.idx.msk [tilespmem:v1+s21+$0x0], $0xffff  }
0xb9: {  	s9 =	sadd.s32 $0x15000, s0;
	s11 =	sor.u32 s15, s14;
	v7 =	vld.idx.msk [tilespmem:v2+s21+$0x0], $0xffff  }
0xba: {  	s0 =	sor.u32 s2, s9;
	v9 =	vld [tilespmem:s11+$0x0];
	v8 =	vor.u32 $0x80, v2  }
0xbb: {  	s10 =	sor.u32 $0x10, s1;
	[tilespmem:s0+$0x0] =	vst v3  }
0xbc: {  	s16 =	sor.u32 s26, s9;
	s13 =	sor.u32 s10, s14;
	v11 =	vshll.u32 v6, $0x2;
	s11 =	sor.u32 $0x20, s1;
	v3 =	vor.u32 $0x80, v1;
	v4 =	vld.idx.msk [tilespmem:v4+s21+$0x0], $0xffff  }
0xbd: {  	s12 =	sor.u32 s12, s9;
	v6 =	vand.u32 $0x7F, v6;
	v10 =	vld [tilespmem:s13+$0x0];
	v11 =	vand.u32 $0xFFFFFE00, v11;
	s2 =	sor.u32 s11, s14;
	v12 =	vor.u32 $0x100, v0;
	[tilespmem:s16+$0x0] =	vst v5  }
0xbe: {  	v13 =	vld [tilespmem:s2+$0x0];
	v5 =	vor.u32 v6, v11;
	[tilespmem:s12+$0x0] =	vst v7  }
0xbf: {  	v11 =	vshll.u32 v9, $0x2;
	v8 =	vld.idx.msk [tilespmem:v8+s21+$0x0], $0xffff  }
0xc0: {  	v9 =	vand.u32 $0x7F, v9;
	v7 =	vor.u32 $0x100, v2;
	v11 =	vand.u32 $0xFFFFFE00, v11  }
0xc1: {  	p0 =	por $0x0, $0x0;
	v9 =	vor.u32 v9, v11;
	v3 =	vld.idx.msk [tilespmem:v3+s21+$0x0], $0xffff;
	[tilespmem:s0+$0x80] =	vst v4;
	s0 =	simm.s32 $0x1  }
0xc2: {  	v6 =	vor.u32 $0x100, v1;
	v12 =	vld.idx.msk [tilespmem:v12+s21+$0x0], $0xffff;
	s0 =	simm.s32 @!p0 $0x0  }
0xc3: {  	v0 =	vor.u32 $0x180, v0;
	v4 =	vshll.u32 v10, $0x2;
	v14 =	vld.idx.msk [tilespmem:v5+s21+$0x0], $0xffff;
	s0 =	sshll.u32 s0, $0x6  }
0xc4: {  	v11 =	vshll.u32 v13, $0x2;
	v10 =	vand.u32 $0x7F, v10;
	v4 =	vand.u32 $0xFFFFFE00, v4;
	s5 =	sadd.s32 $0x0, s0;
	[tilespmem:s12+$0x80] =	vst v8  }
0xc5: {  	v11 =	vand.u32 $0xFFFFFE00, v11;
	v4 =	vor.u32 v10, v4;
	v10 =	vand.u32 $0x7F, v13;
	s13 =	sadd.s32 $0x30, s5;
	v7 =	vld.idx.msk [tilespmem:v7+s21+$0x0], $0xffff  }
0xc6: {  	v8 =	vor.u32 $0x80, v5;
	[tilespmem:s16+$0x80] =	vst v3;
	v3 =	vor.u32 v10, v11;
	v10 =	vld.idx.msk [tilespmem:v9+s21+$0x0], $0xffff;
	s17 =	sor.u32 $0x100, s13  }
0xc7: {  	s25 =	simm.s32 $0x40;
	s2 =	sor.u32 s3, s9;
	v6 =	vld.idx.msk [tilespmem:v6+s21+$0x0], $0xffff;
	[tilespmem:s17+$0x15000] =	vst v12  }
0xc8: {  	s24 =	simm.s32 $0x100;
	s14 =	simm.s32 $0x80;
	[tilespmem:s2+$0x0] =	vst v14;
	v14 =	vld [tilespmem:s25+$0x0]  }
0xc9: {  	s9 =	sand.u32 $0x40, s14;
	s0 =	sand.u32 $0x3E00, s24;
	v11 =	vld.idx.msk [tilespmem:v0+s21+$0x0], $0xffff  }
0xca: {  	s26 =	sand.u32 $0xF80, s14;
	s12 =	sadd.s32 $0x15000, s0;
	s17 =	sor.u32 $0x30, s9;
	v0 =	vor.u32 $0x80, v9;
	v12 =	vld.idx.msk [tilespmem:v4+s21+$0x0], $0xffff  }
0xcb: {  	v1 =	vor.u32 $0x180, v1;
	s0 =	sor.u32 s15, s12;
	s15 =	sor.u32 s17, s26;
	v8 =	vld.idx.msk [tilespmem:v8+s21+$0x0], $0xffff  }
0xcc: {  	s6 =	sor.u32 $0x10, s9;
	s14 =	sadd.s32 $0x10, s5;
	v16 =	vld [tilespmem:s15+$0x0]  }
0xcd: {  	s16 =	sor.u32 $0x100, s14;
	s25 =	sor.u32 s6, s26;
	v13 =	vld.idx.msk [tilespmem:v3+s21+$0x0], $0xffff;
	[tilespmem:s0+$0x0] =	vst v10;
	v10 =	vor.u32 $0x80, v4  }
0xce: {  	v15 =	vor.u32 $0x80, v3;
	[tilespmem:s16+$0x15000] =	vst v6;
	v6 =	vld [tilespmem:s25+$0x0]  }
0xcf: {  	v17 =	vor.u32 $0x100, v5;
	s24 =	sor.u32 $0x20, s9;
	v0 =	vld.idx.msk [tilespmem:v0+s21+$0x0], $0xffff  }
0xd0: {  	v19 =	vor.u32 $0x100, v9;
	s3 =	sor.u32 s24, s26;
	s10 =	sor.u32 s10, s12;
	v18 =	vld.idx.msk [tilespmem:v1+s21+$0x0], $0xffff;
	v1 =	vshll.u32 v14, $0x2  }
0xd1: {  	v2 =	vor.u32 $0x180, v2;
	s11 =	sor.u32 s11, s12;
	v20 =	vld [tilespmem:s3+$0x0];
	v14 =	vand.u32 $0x7F, v14;
	v1 =	vand.u32 $0xFFFFFE00, v1;
	[tilespmem:s10+$0x0] =	vst v12  }
0xd2: {  	v12 =	vor.u32 v14, v1;
	v1 =	vld.idx.msk [tilespmem:v10+s21+$0x0], $0xffff;
	[tilespmem:s11+$0x0] =	vst v13  }
0xd3: {  	s26 =	sadd.s32 $0x20, s5;
	v14 =	vor.u32 $0x100, v3;
	[tilespmem:s2+$0x80] =	vst v8;
	v8 =	vshll.u32 v16, $0x2;
	v10 =	vor.u32 $0x100, v4;
	v15 =	vld.idx.msk [tilespmem:v15+s21+$0x0], $0xffff  }
0xd4: {  	p0 =	por !p0, !p0;
	s15 =	sor.u32 $0x100, s26;
	v21 =	vld.idx.msk [tilespmem:v17+s21+$0x0], $0xffff;
	v13 =	vand.u32 $0x7F, v16;
	v8 =	vand.u32 $0xFFFFFE00, v8;
	[tilespmem:s0+$0x80] =	vst v0;
	v0 =	vshll.u32 v6, $0x2;
	s0 =	simm.s32 $0x1  }
0xd5: {  	[tilespmem:s15+$0x15000] =	vst v7;
	s16 =	sor.u32 $0x180, s13;
	v7 =	vld.idx.msk [tilespmem:v19+s21+$0x0], $0xffff;
	v16 =	vand.u32 $0xFFFFFE00, v0;
	v0 =	vor.u32 v13, v8;
	s0 =	simm.s32 @!p0 $0x0  }
0xd6: {  	[tilespmem:s16+$0x15000] =	vst v11;
	v8 =	vshll.u32 v20, $0x2;
	v19 =	vld.idx.msk [tilespmem:v2+s21+$0x0], $0xffff;
	v2 =	vand.u32 $0x7F, v6;
	v6 =	vor.u32 $0x180, v9;
	s0 =	sshll.u32 s0, $0x6  }
0xd7: {  	s31 =	simm.s32 $0x80;
	s3 =	sor.u32 $0x180, s5;
	v22 =	vld.idx.msk [tilespmem:v12+s21+$0x0], $0xffff;
	v8 =	vand.u32 $0xFFFFFE00, v8;
	v23 =	vor.u32 v2, v16;
	v2 =	vand.u32 $0x7F, v20;
	[tilespmem:s10+$0x80] =	vst v1;
	s0 =	sadd.s32 $0x100, s0  }
0xd8: {  	s25 =	sor.u32 $0x180, s14;
	s14 =	sor.u32 $0x180, s26;
	v20 =	vor.u32 v2, v8;
	v13 =	vld.idx.msk [tilespmem:v10+s21+$0x0], $0xffff;
	[tilespmem:s11+$0x80] =	vst v15;
	s26 =	sadd.s32 $0x30, s0  }
0xd9: {  	s16 =	sor.u32 s1, s12;
	s2 =	sor.u32 $0x100, s5;
	v3 =	vor.u32 $0x180, v3;
	[tilespmem:s25+$0x15000] =	vst v18;
	v14 =	vld.idx.msk [tilespmem:v14+s21+$0x0], $0xffff;
	s13 =	sor.u32 $0x100, s26  }
0xda: {  	v4 =	vor.u32 $0x180, v4;
	v9 =	vor.u32 $0x80, v12;
	v1 =	vor.u32 $0x180, v5;
	s11 =	simm.s32 $0x8;
	s5 =	sadd.s32 $0x10, s0;
	s15 =	sadd.s32 $0x20, s0;
	v17 =	vld.idx.msk [tilespmem:v0+s21+$0x0], $0xffff;
	[tilespmem:s13+$0x15000] =	vst v7  }
0xdb: {  	v5 =	vor.u32 $0x100, v12;
	[tilespmem:s2+$0x15000] =	vst v21;
	v2 =	vor.u32 $0x180, v12;
	v10 =	vor.u32 $0x80, v23;
	s10 =	sor.u32 $0x100, s0;
	s12 =	sor.u32 $0x180, s0;
	s25 =	sor.u32 $0x100, s5;
	v16 =	vld.idx.msk [tilespmem:v6+s21+$0x0], $0xffff  }
0xdc: {  	v11 =	vor.u32 $0x180, v23;
	v12 =	vor.u32 $0x80, v20;
	s30 =	sor.u32 $0x100, s15;
	s13 =	sor.u32 $0x180, s5;
	[tilespmem:s14+$0x15000] =	vst v19;
	s5 =	simm.s32 $0x200;
	v19 =	vor.u32 $0x80, v0;
	v15 =	vld.idx.msk [tilespmem:v23+s21+$0x0], $0xffff  }
0xdd: {  	v8 =	vor.u32 $0x180, v20;
	s1 =	sor.u32 $0x180, s15;
	v7 =	vor.u32 $0x100, v20;
	[tilespmem:s16+$0x0] =	vst v22;
	s14 =	simm.s32 $0xC0;
	v6 =	vor.u32 $0x100, v23;
	s28 =	sand.u32 $0x3E00, s5;
	v18 =	vld.idx.msk [tilespmem:v20+s21+$0x0], $0xffff  }
.LBB2_9:
0xde: {  	s0 =	sand.u32 $0xF80, s14;
	v20 =	vld [tilespmem:s31+$0x0];
	s2 =	sadd.s32 $0x15000, s28;
	[tilespmem:s25+$0x15000] =	vst v13;
	s15 =	smov.u32 s3  }
0xdf: {  	s3 =	sand.u32 $0x40, s14;
	s11 =	sadd.s32 $0x4, s11;
	s25 =	sor.u32 s17, s2;
	v13 =	vld.idx.msk [tilespmem:v9+s21+$0x0], $0xffff;
	[tilespmem:s30+$0x15000] =	vst v14  }
0xe0: {  	s26 =	sor.u32 $0x180, s26;
	s17 =	sor.u32 $0x30, s3;
	p1 =	slt.u32 s11, $0xFC;
	[tilespmem:s25+$0x0] =	vst v17;
	v14 =	vld.idx.msk [tilespmem:v4+s21+$0x0], $0xffff;
	v4 =	vmov v11  }
0xe1: {  	s28 =	sor.u32 $0x10, s3;
	s30 =	sor.u32 $0x20, s3;
	s31 =	sor.u32 s17, s0;
	v11 =	vld.idx.msk [tilespmem:v19+s21+$0x0], $0xffff;
	[tilespmem:s26+$0x15000] =	vst v16  }
0xe2: {  	s26 =	sor.u32 s28, s0;
	s0 =	sor.u32 s30, s0;
	v16 =	vld [tilespmem:s31+$0x0];
	s31 =	sor.u32 s9, s2  }
0xe3: {  	s9 =	smov.u32 s3;
	v17 =	vld [tilespmem:s26+$0x0];
	v9 =	vand.u32 $0x7F, v20;
	v19 =	vshll.u32 v20, $0x2;
	s26 =	sor.u32 s6, s2;
	s2 =	sor.u32 s24, s2;
	v20 =	vor.u32 $0x100, v0  }
0xe4: {  	s3 =	smov.u32 s12;
	s6 =	smov.u32 s28;
	s24 =	smov.u32 s30;
	v21 =	vld [tilespmem:s0+$0x0];
	v19 =	vand.u32 $0xFFFFFE00, v19;
	[tilespmem:s26+$0x0] =	vst v15  }
0xe5: {  	v15 =	vor.u32 v9, v19;
	v10 =	vld.idx.msk [tilespmem:v10+s21+$0x0], $0xffff;
	[tilespmem:s2+$0x0] =	vst v18  }
0xe6: {  	v9 =	vor.u32 $0x80, v15;
	v18 =	vor.u32 $0x100, v15;
	v19 =	vor.u32 $0x180, v15;
	v12 =	vld.idx.msk [tilespmem:v12+s21+$0x0], $0xffff;
	[tilespmem:s16+$0x80] =	vst v13;
	s16 =	smov.u32 s31  }
0xe7: {  	p0 =	por !p0, !p0;
	s0 =	simm.s32 $0x1;
	v13 =	vshll.u32 v16, $0x2;
	[tilespmem:s25+$0x80] =	vst v11;
	v22 =	vld.idx.msk [tilespmem:v5+s21+$0x0], $0xffff;
	v5 =	vmov v18  }
0xe8: {  	s0 =	simm.s32 @!p0 $0x0;
	v16 =	vand.u32 $0x7F, v16;
	v11 =	vshll.u32 v17, $0x2;
	v13 =	vand.u32 $0xFFFFFE00, v13;
	v18 =	vld.idx.msk [tilespmem:v20+s21+$0x0], $0xffff;
	[tilespmem:s13+$0x15000] =	vst v14  }
0xe9: {  	s0 =	sshll.u32 s0, $0x6;
	v11 =	vand.u32 $0xFFFFFE00, v11;
	v14 =	vshll.u32 v21, $0x2;
	v16 =	vor.u32 v16, v13;
	v20 =	vld.idx.msk [tilespmem:v3+s21+$0x0], $0xffff;
	v3 =	vmovc v8  }
0xea: {  	s0 =	sadd.s32 s0, s5;
	v8 =	vand.u32 $0x7F, v17;
	v13 =	vand.u32 $0xFFFFFE00, v14;
	v23 =	vld.idx.msk [tilespmem:v15+s21+$0x0], $0xffff;
	v15 =	vor.u32 $0x180, v0;
	v0 =	vmovc v16  }
0xeb: {  	s12 =	sadd.s32 $0x10, s0;
	v24 =	vor.u32 v8, v11;
	v8 =	vand.u32 $0x7F, v21;
	[tilespmem:s26+$0x80] =	vst v10;
	v21 =	vld.idx.msk [tilespmem:v1+s21+$0x0], $0xffff;
	v1 =	vmovc v2;
	v2 =	vmov v19  }
0xec: {  	s25 =	sor.u32 $0x100, s12;
	v10 =	vor.u32 $0x80, v24;
	v25 =	vor.u32 v8, v13;
	s26 =	sadd.s32 $0x30, s0;
	v13 =	vld.idx.msk [tilespmem:v6+s21+$0x0], $0xffff;
	v6 =	vor.u32 $0x100, v24;
	[tilespmem:s2+$0x80] =	vst v12;
	s2 =	sadd.s32 $0x20, s0  }
.Ltmp6:
0xed: {  	v11 =	vor.u32 $0x180, v24;
	v12 =	vor.u32 $0x80, v25;
	s28 =	sor.u32 $0x100, s26;
	v14 =	vld.idx.msk [tilespmem:v7+s21+$0x0], $0xffff;
	v7 =	vor.u32 $0x100, v25;
	s30 =	sor.u32 $0x100, s2;
	[tilespmem:s10+$0x15000] =	vst v22;
	(pc) =	sbr.rel @p1 .LBB2_9-.Ltmp6, $4  }
0xee: {  	s13 =	sor.u32 $0x180, s12;
	v8 =	vor.u32 $0x180, v25;
	s10 =	sor.u32 $0x100, s0;
	s2 =	sor.u32 $0x180, s2;
	v17 =	vld.idx.msk [tilespmem:v16+s21+$0x0], $0xffff;
	[tilespmem:s28+$0x15000] =	vst v18  }
0xef: {  	s12 =	sor.u32 $0x180, s0;
	v16 =	vld.idx.msk [tilespmem:v15+s21+$0x0], $0xffff;
	[tilespmem:s1+$0x15000] =	vst v20;
	s1 =	smov.u32 s2  }
0xf0: {  	s5 =	sadd.s32 $0x100, s5;
	v19 =	vor.u32 $0x80, v0;
	v15 =	vld.idx.msk [tilespmem:v24+s21+$0x0], $0xffff;
	[tilespmem:s16+$0x0] =	vst v23  }
0xf1: {  	s14 =	sadd.s32 $0x40, s14;
	s31 =	sshra.s32 s5, $0x2;
	s28 =	sand.u32 $0x3E00, s5;
	v18 =	vld.idx.msk [tilespmem:v25+s21+$0x0], $0xffff;
	[tilespmem:s15+$0x15000] =	vst v21  }
0xf2: {  	v20 =	vld [tilespmem:s31+$0x0];
	_ =	sdelay $0x4  }
0xf3: {  	v21 =	vshll.u32 v20, $0x2  }
0xf4: {  	v20 =	vand.u32 $0x7F, v20;
	v21 =	vand.u32 $0xFFFFFE00, v21  }
0xf5: {  	v20 =	vor.u32 v20, v21;
	_ =	sdelay $0x3  }
0xf6: {  	s0 =	sadd.s32 $0x15000, s28;
	[tilespmem:s25+$0x15000] =	vst v13;
	v9 =	vld.idx.msk [tilespmem:v9+s21+$0x0], $0xffff  }
0xf7: {  	[tilespmem:s30+$0x15000] =	vst v14;
	s2 =	sor.u32 s17, s0;
	v13 =	vld.idx.msk [tilespmem:v20+s21+$0x0], $0xffff  }
0xf8: {  	s11 =	sor.u32 s24, s0;
	v4 =	vld.idx.msk [tilespmem:v4+s21+$0x0], $0xffff;
	[tilespmem:s2+$0x0] =	vst v17;
	v14 =	vor.u32 $0x80, v20  }
0xf9: {  	s6 =	sor.u32 s6, s0;
	v17 =	vld.idx.msk [tilespmem:v19+s21+$0x0], $0xffff;
	[tilespmem:s11+$0x0] =	vst v18  }
0xfa: {  	[tilespmem:s6+$0x0] =	vst v15;
	v12 =	vld.idx.msk [tilespmem:v12+s21+$0x0], $0xffff  }
0xfb: {  	s0 =	sor.u32 s9, s0;
	v10 =	vld.idx.msk [tilespmem:v10+s21+$0x0], $0xffff;
	[tilespmem:s16+$0x80] =	vst v9  }
0xfc: {  	[tilespmem:s0+$0x0] =	vst v13  }
0xfd: {  	v15 =	vor.u32 $0x100, v0;
	[tilespmem:s13+$0x15000] =	vst v4;
	v9 =	vld.idx.msk [tilespmem:v14+s21+$0x0], $0xffff  }
0xfe: {  	v5 =	vld.idx.msk [tilespmem:v5+s21+$0x0], $0xffff;
	[tilespmem:s2+$0x80] =	vst v17;
	v13 =	vor.u32 $0x100, v20  }
0xff: {  	p0 =	por !p0, !p0;
	v3 =	vld.idx.msk [tilespmem:v3+s21+$0x0], $0xffff;
	s2 =	simm.s32 $0x1;
	[tilespmem:s11+$0x80] =	vst v12  }
0x100: {  	s14 =	sor.u32 $0x180, s26;
	s2 =	simm.s32 @!p0 $0x0;
	[tilespmem:s6+$0x80] =	vst v10;
	v4 =	vld.idx.msk [tilespmem:v7+s21+$0x0], $0xffff  }
0x101: {  	[tilespmem:s14+$0x15000] =	vst v16;
	s2 =	sshll.u32 s2, $0x6;
	v6 =	vld.idx.msk [tilespmem:v6+s21+$0x0], $0xffff  }
0x102: {  	s2 =	sadd.s32 s2, s5;
	v14 =	vld.idx.msk [tilespmem:v15+s21+$0x0], $0xffff;
	[tilespmem:s0+$0x80] =	vst v9  }
0x103: {  	v0 =	vor.u32 $0x180, v0;
	[tilespmem:s10+$0x15000] =	vst v5;
	s13 =	sadd.s32 $0x20, s2;
	v5 =	vld.idx.msk [tilespmem:v13+s21+$0x0], $0xffff  }
0x104: {  	v1 =	vld.idx.msk [tilespmem:v1+s21+$0x0], $0xffff;
	[tilespmem:s1+$0x15000] =	vst v3;
	v7 =	vor.u32 $0x180, v20;
	s9 =	sadd.s32 $0x10, s2;
	s15 =	sor.u32 $0x100, s13  }
0x105: {  	s5 =	sadd.s32 $0x30, s2;
	v2 =	vld.idx.msk [tilespmem:v2+s21+$0x0], $0xffff;
	s14 =	sor.u32 $0x100, s9;
	[tilespmem:s15+$0x15000] =	vst v4  }
0x106: {  	s11 =	sor.u32 $0x100, s5;
	[tilespmem:s14+$0x15000] =	vst v6;
	v3 =	vld.idx.msk [tilespmem:v8+s21+$0x0], $0xffff  }
0x107: {  	s16 =	sor.u32 $0x100, s2;
	v4 =	vld.idx.msk [tilespmem:v11+s21+$0x0], $0xffff;
	[tilespmem:s11+$0x15000] =	vst v14  }
0x108: {  	v0 =	vld.idx.msk [tilespmem:v0+s21+$0x0], $0xffff;
	[tilespmem:s16+$0x15000] =	vst v5  }
0x109: {  	[tilespmem:s3+$0x15000] =	vst v1;
	v1 =	vld.idx.msk [tilespmem:v7+s21+$0x0], $0xffff  }
0x10a: {  	s24 =	sor.u32 $0x180, s13;
	[tilespmem:s12+$0x15000] =	vst v2  }
0x10b: {  	[tilespmem:s24+$0x15000] =	vst v3;
	s0 =	sor.u32 $0x180, s9  }
0x10c: {  	s17 =	sor.u32 $0x180, s5;
	[tilespmem:s0+$0x15000] =	vst v4  }
0x10d: {  	s25 =	sor.u32 $0x180, s2;
	[tilespmem:s17+$0x15000] =	vst v0  }
0x10e: {  	[tilespmem:s25+$0x15000] =	vst v1  }
0x10f: {  	s0 =	rddreg [dreg:$0xa]  }
0x110: {  	s26 =	simm.s32 $0x15000;
	p0 =	seq.s32 s4, $0xF;
	s0 =	sadd.s32 s8, s0  }
0x111: {  	[hbm4b:s0+s18] =	stream.strided.scatter [tilespmem:s26], [sflag:$0x6], $0x4000, s19, s18, $0x38;
	[tilespmem:$0x19000] =	vst v63  }
0x112: {  	s1 =	simm.s32 @!p0 $0x200;
	s0 =	rddreg [dreg:$0xb]  }
0x113: {  	s3 =	simm.s32 @!p0 $0x5000;
	s2 =	simm.s32 @!p0 $0x400;
	s0 =	sadd.s32 @!p0 s7, s0  }
0x114: {  	[tilespmem:s3], [sflag:$0x2] =	stream.strided.gather @!p0 [hbm4b:s0+s1], $0x4000, s2, s1, $0x38;
	[tilespmem:$0x19000] =	vst v63  }
0x115: {  	s1 =	simm.s32 $0x3  }
0x116: {  	_ =	swait.ge [sflag:s1], $0x4000  }
0x117: {  	[sflag:s1] =	ssyncset.done $0x0  }
0x118: {  	s10 =	simm.s32 $0x5;
	s2 =	simm.s32 $0x0;
	[sflag:s1] =	ssyncadd.s32 $0xFFFFC000  }
0x119: {  	s3 =	sand.u32 $0x40, s2;
	_ =	swait.ge [sflag:s10], $0x4000  }
0x11a: {  	s11 =	sand.u32 $0xF80, s2;
	s12 =	sor.u32 $0x30, s3;
	[sflag:s10] =	ssyncset.done $0x0  }
0x11b: {  	s13 =	sor.u32 s12, s11;
	[sflag:s10] =	ssyncadd.s32 $0xFFFFC000  }
0x11c: {  	s14 =	sor.u32 $0x10, s3;
	v0 =	vld [tilespmem:s13+$0x0]  }
0x11d: {  	s9 =	sor.u32 $0x20, s3;
	s26 =	sor.u32 s14, s11  }
0x11e: {  	s1 =	sor.u32 s9, s11;
	v1 =	vld [tilespmem:s26+$0x0]  }
0x11f: {  	v2 =	vld [tilespmem:s1+$0x0];
	_ =	sdelay $0x1  }
0x120: {  	v3 =	vshll.u32 v0, $0x2  }
0x121: {  	v0 =	vand.u32 $0x7F, v0;
	v3 =	vand.u32 $0xFFFFFE00, v3  }
0x122: {  	v0 =	vor.u32 v0, v3;
	v3 =	vshll.u32 v1, $0x2  }
0x123: {  	v4 =	vshll.u32 v2, $0x2;
	v1 =	vand.u32 $0x7F, v1;
	v3 =	vand.u32 $0xFFFFFE00, v3  }
0x124: {  	v2 =	vand.u32 $0x7F, v2;
	v1 =	vor.u32 v1, v3;
	v3 =	vand.u32 $0xFFFFFE00, v4  }
0x125: {  	v2 =	vor.u32 v2, v3;
	_ =	sdelay $0x1  }
0x126: {  	s15 =	simm.s32 $0x0;
	s16 =	simm.s32 $0x40;
	v3 =	vld.idx.msk [tilespmem:v0+s22+$0x0], $0xffff  }
0x127: {  	v6 =	vld [tilespmem:s15+$0x0];
	s1 =	sand.u32 $0x40, s16;
	v4 =	vor.u32 $0x80, v0  }
0x128: {  	s24 =	sand.u32 $0xF80, s16;
	s0 =	sand.u32 $0x3E00, s2;
	s6 =	sor.u32 $0x30, s1;
	v5 =	vld.idx.msk [tilespmem:v1+s22+$0x0], $0xffff  }
0x129: {  	s17 =	sadd.s32 $0x11000, s0;
	s25 =	sor.u32 s6, s24;
	v7 =	vld.idx.msk [tilespmem:v2+s22+$0x0], $0xffff  }
0x12a: {  	s0 =	sor.u32 s12, s17;
	v9 =	vld [tilespmem:s25+$0x0];
	v8 =	vor.u32 $0x80, v2  }
0x12b: {  	s10 =	sor.u32 $0x10, s1;
	[tilespmem:s0+$0x0] =	vst v3  }
0x12c: {  	s14 =	sor.u32 s14, s17;
	s11 =	sor.u32 $0x20, s1;
	s26 =	sor.u32 s10, s24;
	v11 =	vshll.u32 v6, $0x2;
	v3 =	vor.u32 $0x80, v1;
	v4 =	vld.idx.msk [tilespmem:v4+s22+$0x0], $0xffff  }
0x12d: {  	s12 =	sor.u32 s9, s17;
	s2 =	sor.u32 s11, s24;
	v10 =	vld [tilespmem:s26+$0x0];
	v6 =	vand.u32 $0x7F, v6;
	v11 =	vand.u32 $0xFFFFFE00, v11;
	v12 =	vor.u32 $0x100, v0;
	[tilespmem:s14+$0x0] =	vst v5  }
0x12e: {  	v13 =	vld [tilespmem:s2+$0x0];
	v5 =	vor.u32 v6, v11;
	[tilespmem:s12+$0x0] =	vst v7  }
0x12f: {  	v11 =	vshll.u32 v9, $0x2;
	v8 =	vld.idx.msk [tilespmem:v8+s22+$0x0], $0xffff  }
0x130: {  	v9 =	vand.u32 $0x7F, v9;
	v7 =	vor.u32 $0x100, v2;
	v11 =	vand.u32 $0xFFFFFE00, v11  }
0x131: {  	p1 =	por $0x0, $0x0;
	v9 =	vor.u32 v9, v11;
	v3 =	vld.idx.msk [tilespmem:v3+s22+$0x0], $0xffff;
	[tilespmem:s0+$0x80] =	vst v4;
	s0 =	simm.s32 $0x1  }
0x132: {  	v6 =	vor.u32 $0x100, v1;
	v12 =	vld.idx.msk [tilespmem:v12+s22+$0x0], $0xffff;
	s0 =	simm.s32 @!p1 $0x0  }
0x133: {  	v0 =	vor.u32 $0x180, v0;
	v4 =	vshll.u32 v10, $0x2;
	v14 =	vld.idx.msk [tilespmem:v5+s22+$0x0], $0xffff;
	s0 =	sshll.u32 s0, $0x6  }
0x134: {  	v11 =	vshll.u32 v13, $0x2;
	v10 =	vand.u32 $0x7F, v10;
	v4 =	vand.u32 $0xFFFFFE00, v4;
	s5 =	sadd.s32 $0x0, s0;
	[tilespmem:s12+$0x80] =	vst v8  }
0x135: {  	v11 =	vand.u32 $0xFFFFFE00, v11;
	v4 =	vor.u32 v10, v4;
	v10 =	vand.u32 $0x7F, v13;
	s13 =	sadd.s32 $0x30, s5;
	v7 =	vld.idx.msk [tilespmem:v7+s22+$0x0], $0xffff  }
0x136: {  	v8 =	vor.u32 $0x80, v5;
	[tilespmem:s14+$0x80] =	vst v3;
	v3 =	vor.u32 v10, v11;
	v10 =	vld.idx.msk [tilespmem:v9+s22+$0x0], $0xffff;
	s15 =	sor.u32 $0x100, s13  }
0x137: {  	s2 =	sor.u32 s3, s17;
	s17 =	simm.s32 $0x40;
	v6 =	vld.idx.msk [tilespmem:v6+s22+$0x0], $0xffff;
	[tilespmem:s15+$0x11000] =	vst v12  }
0x138: {  	s24 =	simm.s32 $0x80;
	[tilespmem:s2+$0x0] =	vst v14;
	v14 =	vld [tilespmem:s17+$0x0]  }
0x139: {  	s16 =	simm.s32 $0x100;
	s9 =	sand.u32 $0x40, s24;
	v11 =	vld.idx.msk [tilespmem:v0+s22+$0x0], $0xffff  }
0x13a: {  	s3 =	sand.u32 $0xF80, s24;
	s0 =	sand.u32 $0x3E00, s16;
	s17 =	sor.u32 $0x30, s9;
	v0 =	vor.u32 $0x80, v9;
	v12 =	vld.idx.msk [tilespmem:v4+s22+$0x0], $0xffff  }
0x13b: {  	v1 =	vor.u32 $0x180, v1;
	s12 =	sadd.s32 $0x11000, s0;
	s15 =	sor.u32 s17, s3;
	v8 =	vld.idx.msk [tilespmem:v8+s22+$0x0], $0xffff  }
0x13c: {  	s14 =	sadd.s32 $0x10, s5;
	s0 =	sor.u32 s6, s12;
	s6 =	sor.u32 $0x10, s9;
	v16 =	vld [tilespmem:s15+$0x0]  }
0x13d: {  	s25 =	sor.u32 $0x100, s14;
	s26 =	sor.u32 s6, s3;
	v13 =	vld.idx.msk [tilespmem:v3+s22+$0x0], $0xffff;
	[tilespmem:s0+$0x0] =	vst v10;
	v10 =	vor.u32 $0x80, v4  }
0x13e: {  	v15 =	vor.u32 $0x80, v3;
	[tilespmem:s25+$0x11000] =	vst v6;
	v6 =	vld [tilespmem:s26+$0x0]  }
0x13f: {  	s24 =	sor.u32 $0x20, s9;
	v17 =	vor.u32 $0x100, v5;
	v0 =	vld.idx.msk [tilespmem:v0+s22+$0x0], $0xffff  }
0x140: {  	v19 =	vor.u32 $0x100, v9;
	s10 =	sor.u32 s10, s12;
	s3 =	sor.u32 s24, s3;
	v18 =	vld.idx.msk [tilespmem:v1+s22+$0x0], $0xffff;
	v1 =	vshll.u32 v14, $0x2  }
0x141: {  	v2 =	vor.u32 $0x180, v2;
	s11 =	sor.u32 s11, s12;
	v20 =	vld [tilespmem:s3+$0x0];
	v14 =	vand.u32 $0x7F, v14;
	v1 =	vand.u32 $0xFFFFFE00, v1;
	[tilespmem:s10+$0x0] =	vst v12  }
0x142: {  	v12 =	vor.u32 v14, v1;
	v1 =	vld.idx.msk [tilespmem:v10+s22+$0x0], $0xffff;
	[tilespmem:s11+$0x0] =	vst v13  }
0x143: {  	s26 =	sadd.s32 $0x20, s5;
	v14 =	vor.u32 $0x100, v3;
	[tilespmem:s2+$0x80] =	vst v8;
	v8 =	vshll.u32 v16, $0x2;
	v10 =	vor.u32 $0x100, v4;
	v15 =	vld.idx.msk [tilespmem:v15+s22+$0x0], $0xffff  }
0x144: {  	p1 =	por !p1, !p1;
	s15 =	sor.u32 $0x100, s26;
	v63 =	vld.idx.msk [tilespmem:v17+s22+$0x0], $0xffff;
	v13 =	vand.u32 $0x7F, v16;
	v8 =	vand.u32 $0xFFFFFE00, v8;
	[tilespmem:s0+$0x80] =	vst v0;
	v0 =	vshll.u32 v6, $0x2;
	s0 =	simm.s32 $0x1  }
0x145: {  	s16 =	sor.u32 $0x180, s13;
	[tilespmem:s15+$0x11000] =	vst v7;
	v7 =	vld.idx.msk [tilespmem:v19+s22+$0x0], $0xffff;
	v16 =	vand.u32 $0xFFFFFE00, v0;
	v0 =	vor.u32 v13, v8;
	s0 =	simm.s32 @!p1 $0x0  }
0x146: {  	[tilespmem:s16+$0x11000] =	vst v11;
	v8 =	vshll.u32 v20, $0x2;
	v19 =	vld.idx.msk [tilespmem:v2+s22+$0x0], $0xffff;
	v2 =	vand.u32 $0x7F, v6;
	v6 =	vor.u32 $0x180, v9;
	s0 =	sshll.u32 s0, $0x6  }
0x147: {  	s31 =	simm.s32 $0x80;
	s3 =	sor.u32 $0x180, s5;
	v22 =	vld.idx.msk [tilespmem:v12+s22+$0x0], $0xffff;
	v8 =	vand.u32 $0xFFFFFE00, v8;
	v23 =	vor.u32 v2, v16;
	v2 =	vand.u32 $0x7F, v20;
	[tilespmem:s10+$0x80] =	vst v1;
	s0 =	sadd.s32 $0x100, s0  }
0x148: {  	s25 =	sor.u32 $0x180, s14;
	s14 =	sor.u32 $0x180, s26;
	v20 =	vor.u32 v2, v8;
	v13 =	vld.idx.msk [tilespmem:v10+s22+$0x0], $0xffff;
	[tilespmem:s11+$0x80] =	vst v15;
	s26 =	sadd.s32 $0x30, s0  }
0x149: {  	s16 =	sor.u32 s1, s12;
	s2 =	sor.u32 $0x100, s5;
	v3 =	vor.u32 $0x180, v3;
	[tilespmem:s25+$0x11000] =	vst v18;
	v14 =	vld.idx.msk [tilespmem:v14+s22+$0x0], $0xffff;
	s13 =	sor.u32 $0x100, s26  }
0x14a: {  	v4 =	vor.u32 $0x180, v4;
	v9 =	vor.u32 $0x80, v12;
	v1 =	vor.u32 $0x180, v5;
	s11 =	simm.s32 $0x8;
	s5 =	sadd.s32 $0x10, s0;
	s15 =	sadd.s32 $0x20, s0;
	v17 =	vld.idx.msk [tilespmem:v0+s22+$0x0], $0xffff;
	[tilespmem:s13+$0x11000] =	vst v7  }
0x14b: {  	v5 =	vor.u32 $0x100, v12;
	[tilespmem:s2+$0x11000] =	vst v63;
	v2 =	vor.u32 $0x180, v12;
	v10 =	vor.u32 $0x80, v23;
	s10 =	sor.u32 $0x100, s0;
	s12 =	sor.u32 $0x180, s0;
	s25 =	sor.u32 $0x100, s5;
	v16 =	vld.idx.msk [tilespmem:v6+s22+$0x0], $0xffff  }
0x14c: {  	v11 =	vor.u32 $0x180, v23;
	v12 =	vor.u32 $0x80, v20;
	s30 =	sor.u32 $0x100, s15;
	s13 =	sor.u32 $0x180, s5;
	[tilespmem:s14+$0x11000] =	vst v19;
	s5 =	simm.s32 $0x200;
	v19 =	vor.u32 $0x80, v0;
	v15 =	vld.idx.msk [tilespmem:v23+s22+$0x0], $0xffff  }
0x14d: {  	v8 =	vor.u32 $0x180, v20;
	s1 =	sor.u32 $0x180, s15;
	v7 =	vor.u32 $0x100, v20;
	[tilespmem:s16+$0x0] =	vst v22;
	s14 =	simm.s32 $0xC0;
	v6 =	vor.u32 $0x100, v23;
	s28 =	sand.u32 $0x3E00, s5;
	v18 =	vld.idx.msk [tilespmem:v20+s22+$0x0], $0xffff  }
.LBB2_11:
0x14e: {  	s0 =	sand.u32 $0xF80, s14;
	v20 =	vld [tilespmem:s31+$0x0];
	s2 =	sadd.s32 $0x11000, s28;
	[tilespmem:s25+$0x11000] =	vst v13;
	s15 =	smov.u32 s3  }
0x14f: {  	s3 =	sand.u32 $0x40, s14;
	s11 =	sadd.s32 $0x4, s11;
	s25 =	sor.u32 s17, s2;
	v13 =	vld.idx.msk [tilespmem:v9+s22+$0x0], $0xffff;
	[tilespmem:s30+$0x11000] =	vst v14  }
0x150: {  	s26 =	sor.u32 $0x180, s26;
	s17 =	sor.u32 $0x30, s3;
	p2 =	slt.u32 s11, $0xFC;
	[tilespmem:s25+$0x0] =	vst v17;
	v14 =	vld.idx.msk [tilespmem:v4+s22+$0x0], $0xffff;
	v4 =	vmov v11  }
0x151: {  	s28 =	sor.u32 $0x10, s3;
	s30 =	sor.u32 $0x20, s3;
	s31 =	sor.u32 s17, s0;
	v11 =	vld.idx.msk [tilespmem:v19+s22+$0x0], $0xffff;
	[tilespmem:s26+$0x11000] =	vst v16  }
0x152: {  	s26 =	sor.u32 s28, s0;
	s0 =	sor.u32 s30, s0;
	v16 =	vld [tilespmem:s31+$0x0];
	s31 =	sor.u32 s9, s2  }
0x153: {  	s9 =	smov.u32 s3;
	v17 =	vld [tilespmem:s26+$0x0];
	v9 =	vand.u32 $0x7F, v20;
	v19 =	vshll.u32 v20, $0x2;
	s26 =	sor.u32 s6, s2;
	s2 =	sor.u32 s24, s2;
	v20 =	vor.u32 $0x100, v0  }
0x154: {  	s3 =	smov.u32 s12;
	s6 =	smov.u32 s28;
	s24 =	smov.u32 s30;
	v21 =	vld [tilespmem:s0+$0x0];
	v19 =	vand.u32 $0xFFFFFE00, v19;
	[tilespmem:s26+$0x0] =	vst v15  }
0x155: {  	v15 =	vor.u32 v9, v19;
	v10 =	vld.idx.msk [tilespmem:v10+s22+$0x0], $0xffff;
	[tilespmem:s2+$0x0] =	vst v18  }
0x156: {  	v9 =	vor.u32 $0x80, v15;
	v18 =	vor.u32 $0x100, v15;
	v19 =	vor.u32 $0x180, v15;
	v12 =	vld.idx.msk [tilespmem:v12+s22+$0x0], $0xffff;
	[tilespmem:s16+$0x80] =	vst v13;
	s16 =	smov.u32 s31  }
0x157: {  	p1 =	por !p1, !p1;
	s0 =	simm.s32 $0x1;
	v13 =	vshll.u32 v16, $0x2;
	[tilespmem:s25+$0x80] =	vst v11;
	v22 =	vld.idx.msk [tilespmem:v5+s22+$0x0], $0xffff;
	v5 =	vmov v18  }
0x158: {  	s0 =	simm.s32 @!p1 $0x0;
	v16 =	vand.u32 $0x7F, v16;
	v11 =	vshll.u32 v17, $0x2;
	v13 =	vand.u32 $0xFFFFFE00, v13;
	v18 =	vld.idx.msk [tilespmem:v20+s22+$0x0], $0xffff;
	[tilespmem:s13+$0x11000] =	vst v14  }
0x159: {  	s0 =	sshll.u32 s0, $0x6;
	v11 =	vand.u32 $0xFFFFFE00, v11;
	v14 =	vshll.u32 v21, $0x2;
	v16 =	vor.u32 v16, v13;
	v20 =	vld.idx.msk [tilespmem:v3+s22+$0x0], $0xffff;
	v3 =	vmovc v8  }
0x15a: {  	s0 =	sadd.s32 s0, s5;
	v8 =	vand.u32 $0x7F, v17;
	v13 =	vand.u32 $0xFFFFFE00, v14;
	v23 =	vld.idx.msk [tilespmem:v15+s22+$0x0], $0xffff;
	v15 =	vor.u32 $0x180, v0;
	v0 =	vmovc v16  }
0x15b: {  	s12 =	sadd.s32 $0x10, s0;
	v24 =	vor.u32 v8, v11;
	v8 =	vand.u32 $0x7F, v21;
	[tilespmem:s26+$0x80] =	vst v10;
	v21 =	vld.idx.msk [tilespmem:v1+s22+$0x0], $0xffff;
	v1 =	vmovc v2;
	v2 =	vmov v19  }
0x15c: {  	s25 =	sor.u32 $0x100, s12;
	v10 =	vor.u32 $0x80, v24;
	v25 =	vor.u32 v8, v13;
	s26 =	sadd.s32 $0x30, s0;
	v13 =	vld.idx.msk [tilespmem:v6+s22+$0x0], $0xffff;
	v6 =	vor.u32 $0x100, v24;
	[tilespmem:s2+$0x80] =	vst v12;
	s2 =	sadd.s32 $0x20, s0  }
.Ltmp7:
0x15d: {  	v11 =	vor.u32 $0x180, v24;
	v12 =	vor.u32 $0x80, v25;
	s28 =	sor.u32 $0x100, s26;
	v14 =	vld.idx.msk [tilespmem:v7+s22+$0x0], $0xffff;
	v7 =	vor.u32 $0x100, v25;
	s30 =	sor.u32 $0x100, s2;
	[tilespmem:s10+$0x11000] =	vst v22;
	(pc) =	sbr.rel @p2 .LBB2_11-.Ltmp7, $4  }
0x15e: {  	s13 =	sor.u32 $0x180, s12;
	v8 =	vor.u32 $0x180, v25;
	s10 =	sor.u32 $0x100, s0;
	s2 =	sor.u32 $0x180, s2;
	v17 =	vld.idx.msk [tilespmem:v16+s22+$0x0], $0xffff;
	[tilespmem:s28+$0x11000] =	vst v18  }
0x15f: {  	s12 =	sor.u32 $0x180, s0;
	v16 =	vld.idx.msk [tilespmem:v15+s22+$0x0], $0xffff;
	[tilespmem:s1+$0x11000] =	vst v20;
	s1 =	smov.u32 s2  }
0x160: {  	s5 =	sadd.s32 $0x100, s5;
	v19 =	vor.u32 $0x80, v0;
	v15 =	vld.idx.msk [tilespmem:v24+s22+$0x0], $0xffff;
	[tilespmem:s16+$0x0] =	vst v23  }
0x161: {  	s14 =	sadd.s32 $0x40, s14;
	s31 =	sshra.s32 s5, $0x2;
	s28 =	sand.u32 $0x3E00, s5;
	v18 =	vld.idx.msk [tilespmem:v25+s22+$0x0], $0xffff;
	[tilespmem:s15+$0x11000] =	vst v21  }
0x162: {  	v20 =	vld [tilespmem:s31+$0x0];
	_ =	sdelay $0x4  }
0x163: {  	v21 =	vshll.u32 v20, $0x2  }
0x164: {  	v20 =	vand.u32 $0x7F, v20;
	v21 =	vand.u32 $0xFFFFFE00, v21  }
0x165: {  	v20 =	vor.u32 v20, v21;
	_ =	sdelay $0x3  }
0x166: {  	s0 =	sadd.s32 $0x11000, s28;
	[tilespmem:s25+$0x11000] =	vst v13;
	v9 =	vld.idx.msk [tilespmem:v9+s22+$0x0], $0xffff  }
0x167: {  	[tilespmem:s30+$0x11000] =	vst v14;
	s2 =	sor.u32 s17, s0;
	v13 =	vld.idx.msk [tilespmem:v20+s22+$0x0], $0xffff  }
0x168: {  	s11 =	sor.u32 s24, s0;
	v4 =	vld.idx.msk [tilespmem:v4+s22+$0x0], $0xffff;
	[tilespmem:s2+$0x0] =	vst v17;
	v14 =	vor.u32 $0x80, v20  }
0x169: {  	s6 =	sor.u32 s6, s0;
	v17 =	vld.idx.msk [tilespmem:v19+s22+$0x0], $0xffff;
	[tilespmem:s11+$0x0] =	vst v18  }
0x16a: {  	[tilespmem:s6+$0x0] =	vst v15;
	v12 =	vld.idx.msk [tilespmem:v12+s22+$0x0], $0xffff  }
0x16b: {  	s0 =	sor.u32 s9, s0;
	v10 =	vld.idx.msk [tilespmem:v10+s22+$0x0], $0xffff;
	[tilespmem:s16+$0x80] =	vst v9  }
0x16c: {  	[tilespmem:s0+$0x0] =	vst v13  }
0x16d: {  	v15 =	vor.u32 $0x100, v0;
	[tilespmem:s13+$0x11000] =	vst v4;
	v9 =	vld.idx.msk [tilespmem:v14+s22+$0x0], $0xffff  }
0x16e: {  	v5 =	vld.idx.msk [tilespmem:v5+s22+$0x0], $0xffff;
	[tilespmem:s2+$0x80] =	vst v17;
	v13 =	vor.u32 $0x100, v20  }
0x16f: {  	p1 =	por !p1, !p1;
	v3 =	vld.idx.msk [tilespmem:v3+s22+$0x0], $0xffff;
	s2 =	simm.s32 $0x1;
	[tilespmem:s11+$0x80] =	vst v12  }
0x170: {  	s14 =	sor.u32 $0x180, s26;
	s2 =	simm.s32 @!p1 $0x0;
	[tilespmem:s6+$0x80] =	vst v10;
	v4 =	vld.idx.msk [tilespmem:v7+s22+$0x0], $0xffff  }
0x171: {  	[tilespmem:s14+$0x11000] =	vst v16;
	s2 =	sshll.u32 s2, $0x6;
	v6 =	vld.idx.msk [tilespmem:v6+s22+$0x0], $0xffff  }
0x172: {  	s2 =	sadd.s32 s2, s5;
	v14 =	vld.idx.msk [tilespmem:v15+s22+$0x0], $0xffff;
	[tilespmem:s0+$0x80] =	vst v9  }
0x173: {  	v0 =	vor.u32 $0x180, v0;
	[tilespmem:s10+$0x11000] =	vst v5;
	s16 =	sadd.s32 $0x20, s2;
	v5 =	vld.idx.msk [tilespmem:v13+s22+$0x0], $0xffff  }
0x174: {  	v1 =	vld.idx.msk [tilespmem:v1+s22+$0x0], $0xffff;
	[tilespmem:s1+$0x11000] =	vst v3;
	v7 =	vor.u32 $0x180, v20;
	s14 =	sadd.s32 $0x10, s2;
	s24 =	sor.u32 $0x100, s16  }
0x175: {  	s5 =	sadd.s32 $0x30, s2;
	v2 =	vld.idx.msk [tilespmem:v2+s22+$0x0], $0xffff;
	s17 =	sor.u32 $0x100, s14;
	[tilespmem:s24+$0x11000] =	vst v4  }
0x176: {  	s15 =	sor.u32 $0x100, s5;
	[tilespmem:s17+$0x11000] =	vst v6;
	v3 =	vld.idx.msk [tilespmem:v8+s22+$0x0], $0xffff  }
0x177: {  	s25 =	sor.u32 $0x100, s2;
	v4 =	vld.idx.msk [tilespmem:v11+s22+$0x0], $0xffff;
	[tilespmem:s15+$0x11000] =	vst v14  }
0x178: {  	v0 =	vld.idx.msk [tilespmem:v0+s22+$0x0], $0xffff;
	[tilespmem:s25+$0x11000] =	vst v5  }
0x179: {  	[tilespmem:s3+$0x11000] =	vst v1;
	v1 =	vld.idx.msk [tilespmem:v7+s22+$0x0], $0xffff  }
0x17a: {  	s3 =	sor.u32 $0x180, s16;
	[tilespmem:s12+$0x11000] =	vst v2  }
0x17b: {  	[tilespmem:s3+$0x11000] =	vst v3;
	s0 =	sor.u32 $0x180, s14  }
0x17c: {  	s26 =	sor.u32 $0x180, s5;
	[tilespmem:s0+$0x11000] =	vst v4  }
0x17d: {  	s5 =	sor.u32 $0x180, s2;
	[tilespmem:s26+$0x11000] =	vst v0  }
0x17e: {  	[tilespmem:s5+$0x11000] =	vst v1  }
0x17f: {  	s0 =	rddreg [dreg:$0xc]  }
0x180: {  	s6 =	simm.s32 $0x11000;
	s0 =	sadd.s32 s8, s0  }
0x181: {  	[hbm4b:s0+s18] =	stream.strided.scatter [tilespmem:s6], [sflag:$0x5], $0x4000, s19, s18, $0x38;
	[tilespmem:$0x19000] =	vst v63  }
0x182: {  	s9 =	simm.s32 $0x4;
	s1 =	simm.s32 @!p0 $0x200;
	s0 =	rddreg [dreg:$0xd]  }
0x183: {  	s2 =	simm.s32 @!p0 $0x400;
	s3 =	simm.s32 @!p0 $0x9000;
	s0 =	sadd.s32 @!p0 s7, s0  }
0x184: {  	[tilespmem:s3], [sflag:$0x3] =	stream.strided.gather @!p0 [hbm4b:s0+s1], $0x4000, s2, s1, $0x38;
	[tilespmem:$0x19000] =	vst v63  }
0x185: {  	_ =	swait.ge [sflag:s9], $0x4000  }
0x186: {  	[sflag:s9] =	ssyncset.done $0x0  }
0x187: {  	s10 =	simm.s32 $0x0;
	[sflag:s9] =	ssyncadd.s32 $0xFFFFC000  }
0x188: {  	s3 =	sand.u32 $0x40, s10;
	_ =	swait.ge [sflag:s29], $0x4000  }
0x189: {  	s11 =	sand.u32 $0xF80, s10;
	s12 =	sor.u32 $0x30, s3;
	[sflag:s29] =	ssyncset.done $0x0  }
0x18a: {  	s13 =	sor.u32 s12, s11;
	[sflag:s29] =	ssyncadd.s32 $0xFFFFC000  }
0x18b: {  	s14 =	sor.u32 $0x10, s3;
	v0 =	vld [tilespmem:s13+$0x0]  }
0x18c: {  	s26 =	sor.u32 s14, s11;
	s9 =	sor.u32 $0x20, s3  }
0x18d: {  	s1 =	sor.u32 s9, s11;
	v1 =	vld [tilespmem:s26+$0x0]  }
0x18e: {  	v2 =	vld [tilespmem:s1+$0x0];
	_ =	sdelay $0x1  }
0x18f: {  	v3 =	vshll.u32 v0, $0x2  }
0x190: {  	v0 =	vand.u32 $0x7F, v0;
	v3 =	vand.u32 $0xFFFFFE00, v3  }
0x191: {  	v0 =	vor.u32 v0, v3;
	v3 =	vshll.u32 v1, $0x2  }
0x192: {  	v4 =	vshll.u32 v2, $0x2;
	v1 =	vand.u32 $0x7F, v1;
	v3 =	vand.u32 $0xFFFFFE00, v3  }
0x193: {  	v2 =	vand.u32 $0x7F, v2;
	v1 =	vor.u32 v1, v3;
	v3 =	vand.u32 $0xFFFFFE00, v4  }
0x194: {  	v2 =	vor.u32 v2, v3;
	_ =	sdelay $0x1  }
0x195: {  	s16 =	simm.s32 $0x40;
	s15 =	simm.s32 $0x0;
	v3 =	vld.idx.msk [tilespmem:v0+s23+$0x0], $0xffff  }
0x196: {  	v6 =	vld [tilespmem:s15+$0x0];
	s1 =	sand.u32 $0x40, s16;
	v4 =	vor.u32 $0x80, v0  }
0x197: {  	s24 =	sand.u32 $0xF80, s16;
	s0 =	sand.u32 $0x3E00, s10;
	s6 =	sor.u32 $0x30, s1;
	v5 =	vld.idx.msk [tilespmem:v1+s23+$0x0], $0xffff  }
0x198: {  	s17 =	sadd.s32 $0x15000, s0;
	s25 =	sor.u32 s6, s24;
	v7 =	vld.idx.msk [tilespmem:v2+s23+$0x0], $0xffff  }
0x199: {  	s0 =	sor.u32 s12, s17;
	v9 =	vld [tilespmem:s25+$0x0];
	v8 =	vor.u32 $0x80, v2  }
0x19a: {  	s10 =	sor.u32 $0x10, s1;
	[tilespmem:s0+$0x0] =	vst v3  }
0x19b: {  	s14 =	sor.u32 s14, s17;
	s11 =	sor.u32 $0x20, s1;
	s26 =	sor.u32 s10, s24;
	v11 =	vshll.u32 v6, $0x2;
	v3 =	vor.u32 $0x80, v1;
	v4 =	vld.idx.msk [tilespmem:v4+s23+$0x0], $0xffff  }
0x19c: {  	s12 =	sor.u32 s9, s17;
	s2 =	sor.u32 s11, s24;
	v10 =	vld [tilespmem:s26+$0x0];
	v6 =	vand.u32 $0x7F, v6;
	v11 =	vand.u32 $0xFFFFFE00, v11;
	v12 =	vor.u32 $0x100, v0;
	[tilespmem:s14+$0x0] =	vst v5  }
0x19d: {  	v13 =	vld [tilespmem:s2+$0x0];
	v5 =	vor.u32 v6, v11;
	[tilespmem:s12+$0x0] =	vst v7  }
0x19e: {  	v11 =	vshll.u32 v9, $0x2;
	v8 =	vld.idx.msk [tilespmem:v8+s23+$0x0], $0xffff  }
0x19f: {  	v9 =	vand.u32 $0x7F, v9;
	v7 =	vor.u32 $0x100, v2;
	v11 =	vand.u32 $0xFFFFFE00, v11  }
0x1a0: {  	p1 =	por $0x0, $0x0;
	v9 =	vor.u32 v9, v11;
	v3 =	vld.idx.msk [tilespmem:v3+s23+$0x0], $0xffff;
	[tilespmem:s0+$0x80] =	vst v4;
	s0 =	simm.s32 $0x1  }
0x1a1: {  	v6 =	vor.u32 $0x100, v1;
	v12 =	vld.idx.msk [tilespmem:v12+s23+$0x0], $0xffff;
	s0 =	simm.s32 @!p1 $0x0  }
0x1a2: {  	v0 =	vor.u32 $0x180, v0;
	v4 =	vshll.u32 v10, $0x2;
	v14 =	vld.idx.msk [tilespmem:v5+s23+$0x0], $0xffff;
	s0 =	sshll.u32 s0, $0x6  }
0x1a3: {  	v11 =	vshll.u32 v13, $0x2;
	v10 =	vand.u32 $0x7F, v10;
	v4 =	vand.u32 $0xFFFFFE00, v4;
	s5 =	sadd.s32 $0x0, s0;
	[tilespmem:s12+$0x80] =	vst v8  }
0x1a4: {  	v11 =	vand.u32 $0xFFFFFE00, v11;
	v4 =	vor.u32 v10, v4;
	v10 =	vand.u32 $0x7F, v13;
	s13 =	sadd.s32 $0x30, s5;
	v7 =	vld.idx.msk [tilespmem:v7+s23+$0x0], $0xffff  }
0x1a5: {  	v8 =	vor.u32 $0x80, v5;
	[tilespmem:s14+$0x80] =	vst v3;
	v3 =	vor.u32 v10, v11;
	v10 =	vld.idx.msk [tilespmem:v9+s23+$0x0], $0xffff;
	s15 =	sor.u32 $0x100, s13  }
0x1a6: {  	s2 =	sor.u32 s3, s17;
	s17 =	simm.s32 $0x40;
	v6 =	vld.idx.msk [tilespmem:v6+s23+$0x0], $0xffff;
	[tilespmem:s15+$0x15000] =	vst v12  }
0x1a7: {  	s24 =	simm.s32 $0x80;
	[tilespmem:s2+$0x0] =	vst v14;
	v14 =	vld [tilespmem:s17+$0x0]  }
0x1a8: {  	s16 =	simm.s32 $0x100;
	s9 =	sand.u32 $0x40, s24;
	v11 =	vld.idx.msk [tilespmem:v0+s23+$0x0], $0xffff  }
0x1a9: {  	s3 =	sand.u32 $0xF80, s24;
	s0 =	sand.u32 $0x3E00, s16;
	s17 =	sor.u32 $0x30, s9;
	v0 =	vor.u32 $0x80, v9;
	v12 =	vld.idx.msk [tilespmem:v4+s23+$0x0], $0xffff  }
0x1aa: {  	v1 =	vor.u32 $0x180, v1;
	s12 =	sadd.s32 $0x15000, s0;
	s15 =	sor.u32 s17, s3;
	v8 =	vld.idx.msk [tilespmem:v8+s23+$0x0], $0xffff  }
0x1ab: {  	s14 =	sadd.s32 $0x10, s5;
	s0 =	sor.u32 s6, s12;
	s6 =	sor.u32 $0x10, s9;
	v16 =	vld [tilespmem:s15+$0x0]  }
0x1ac: {  	s25 =	sor.u32 $0x100, s14;
	s26 =	sor.u32 s6, s3;
	v13 =	vld.idx.msk [tilespmem:v3+s23+$0x0], $0xffff;
	[tilespmem:s0+$0x0] =	vst v10;
	v10 =	vor.u32 $0x80, v4  }
0x1ad: {  	v15 =	vor.u32 $0x80, v3;
	[tilespmem:s25+$0x15000] =	vst v6;
	v6 =	vld [tilespmem:s26+$0x0]  }
0x1ae: {  	s24 =	sor.u32 $0x20, s9;
	v17 =	vor.u32 $0x100, v5;
	v0 =	vld.idx.msk [tilespmem:v0+s23+$0x0], $0xffff  }
0x1af: {  	v19 =	vor.u32 $0x100, v9;
	s10 =	sor.u32 s10, s12;
	s3 =	sor.u32 s24, s3;
	v18 =	vld.idx.msk [tilespmem:v1+s23+$0x0], $0xffff;
	v1 =	vshll.u32 v14, $0x2  }
0x1b0: {  	v2 =	vor.u32 $0x180, v2;
	s11 =	sor.u32 s11, s12;
	v20 =	vld [tilespmem:s3+$0x0];
	v14 =	vand.u32 $0x7F, v14;
	v1 =	vand.u32 $0xFFFFFE00, v1;
	[tilespmem:s10+$0x0] =	vst v12  }
0x1b1: {  	v12 =	vor.u32 v14, v1;
	v1 =	vld.idx.msk [tilespmem:v10+s23+$0x0], $0xffff;
	[tilespmem:s11+$0x0] =	vst v13  }
0x1b2: {  	s26 =	sadd.s32 $0x20, s5;
	v14 =	vor.u32 $0x100, v3;
	[tilespmem:s2+$0x80] =	vst v8;
	v8 =	vshll.u32 v16, $0x2;
	v10 =	vor.u32 $0x100, v4;
	v15 =	vld.idx.msk [tilespmem:v15+s23+$0x0], $0xffff  }
0x1b3: {  	p1 =	por !p1, !p1;
	s15 =	sor.u32 $0x100, s26;
	v63 =	vld.idx.msk [tilespmem:v17+s23+$0x0], $0xffff;
	v13 =	vand.u32 $0x7F, v16;
	v8 =	vand.u32 $0xFFFFFE00, v8;
	[tilespmem:s0+$0x80] =	vst v0;
	v0 =	vshll.u32 v6, $0x2;
	s0 =	simm.s32 $0x1  }
0x1b4: {  	s16 =	sor.u32 $0x180, s13;
	[tilespmem:s15+$0x15000] =	vst v7;
	v7 =	vld.idx.msk [tilespmem:v19+s23+$0x0], $0xffff;
	v16 =	vand.u32 $0xFFFFFE00, v0;
	v0 =	vor.u32 v13, v8;
	s0 =	simm.s32 @!p1 $0x0  }
0x1b5: {  	[tilespmem:s16+$0x15000] =	vst v11;
	v8 =	vshll.u32 v20, $0x2;
	v19 =	vld.idx.msk [tilespmem:v2+s23+$0x0], $0xffff;
	v2 =	vand.u32 $0x7F, v6;
	v6 =	vor.u32 $0x180, v9;
	s0 =	sshll.u32 s0, $0x6  }
0x1b6: {  	s31 =	simm.s32 $0x80;
	s3 =	sor.u32 $0x180, s5;
	v22 =	vld.idx.msk [tilespmem:v12+s23+$0x0], $0xffff;
	v8 =	vand.u32 $0xFFFFFE00, v8;
	v23 =	vor.u32 v2, v16;
	v2 =	vand.u32 $0x7F, v20;
	[tilespmem:s10+$0x80] =	vst v1;
	s0 =	sadd.s32 $0x100, s0  }
0x1b7: {  	s25 =	sor.u32 $0x180, s14;
	s14 =	sor.u32 $0x180, s26;
	v20 =	vor.u32 v2, v8;
	v13 =	vld.idx.msk [tilespmem:v10+s23+$0x0], $0xffff;
	[tilespmem:s11+$0x80] =	vst v15;
	s26 =	sadd.s32 $0x30, s0  }
0x1b8: {  	s16 =	sor.u32 s1, s12;
	s2 =	sor.u32 $0x100, s5;
	v3 =	vor.u32 $0x180, v3;
	[tilespmem:s25+$0x15000] =	vst v18;
	v14 =	vld.idx.msk [tilespmem:v14+s23+$0x0], $0xffff;
	s13 =	sor.u32 $0x100, s26  }
0x1b9: {  	v4 =	vor.u32 $0x180, v4;
	v9 =	vor.u32 $0x80, v12;
	v1 =	vor.u32 $0x180, v5;
	s11 =	simm.s32 $0x8;
	s5 =	sadd.s32 $0x10, s0;
	s15 =	sadd.s32 $0x20, s0;
	v17 =	vld.idx.msk [tilespmem:v0+s23+$0x0], $0xffff;
	[tilespmem:s13+$0x15000] =	vst v7  }
0x1ba: {  	v5 =	vor.u32 $0x100, v12;
	[tilespmem:s2+$0x15000] =	vst v63;
	v2 =	vor.u32 $0x180, v12;
	v10 =	vor.u32 $0x80, v23;
	s10 =	sor.u32 $0x100, s0;
	s12 =	sor.u32 $0x180, s0;
	s25 =	sor.u32 $0x100, s5;
	v16 =	vld.idx.msk [tilespmem:v6+s23+$0x0], $0xffff  }
0x1bb: {  	v11 =	vor.u32 $0x180, v23;
	v12 =	vor.u32 $0x80, v20;
	s30 =	sor.u32 $0x100, s15;
	s13 =	sor.u32 $0x180, s5;
	[tilespmem:s14+$0x15000] =	vst v19;
	s5 =	simm.s32 $0x200;
	v19 =	vor.u32 $0x80, v0;
	v15 =	vld.idx.msk [tilespmem:v23+s23+$0x0], $0xffff  }
0x1bc: {  	v8 =	vor.u32 $0x180, v20;
	s1 =	sor.u32 $0x180, s15;
	v7 =	vor.u32 $0x100, v20;
	[tilespmem:s16+$0x0] =	vst v22;
	s14 =	simm.s32 $0xC0;
	v6 =	vor.u32 $0x100, v23;
	s28 =	sand.u32 $0x3E00, s5;
	v18 =	vld.idx.msk [tilespmem:v20+s23+$0x0], $0xffff  }
.LBB2_13:
0x1bd: {  	s0 =	sand.u32 $0xF80, s14;
	v20 =	vld [tilespmem:s31+$0x0];
	s2 =	sadd.s32 $0x15000, s28;
	[tilespmem:s25+$0x15000] =	vst v13;
	s15 =	smov.u32 s3  }
0x1be: {  	s3 =	sand.u32 $0x40, s14;
	s11 =	sadd.s32 $0x4, s11;
	s25 =	sor.u32 s17, s2;
	v13 =	vld.idx.msk [tilespmem:v9+s23+$0x0], $0xffff;
	[tilespmem:s30+$0x15000] =	vst v14  }
0x1bf: {  	s26 =	sor.u32 $0x180, s26;
	s17 =	sor.u32 $0x30, s3;
	p2 =	slt.u32 s11, $0xFC;
	[tilespmem:s25+$0x0] =	vst v17;
	v14 =	vld.idx.msk [tilespmem:v4+s23+$0x0], $0xffff;
	v4 =	vmov v11  }
0x1c0: {  	s28 =	sor.u32 $0x10, s3;
	s30 =	sor.u32 $0x20, s3;
	s31 =	sor.u32 s17, s0;
	v11 =	vld.idx.msk [tilespmem:v19+s23+$0x0], $0xffff;
	[tilespmem:s26+$0x15000] =	vst v16  }
0x1c1: {  	s26 =	sor.u32 s28, s0;
	s0 =	sor.u32 s30, s0;
	v16 =	vld [tilespmem:s31+$0x0];
	s31 =	sor.u32 s9, s2  }
0x1c2: {  	s9 =	smov.u32 s3;
	v17 =	vld [tilespmem:s26+$0x0];
	v9 =	vand.u32 $0x7F, v20;
	v19 =	vshll.u32 v20, $0x2;
	s26 =	sor.u32 s6, s2;
	s2 =	sor.u32 s24, s2;
	v20 =	vor.u32 $0x100, v0  }
0x1c3: {  	s3 =	smov.u32 s12;
	s6 =	smov.u32 s28;
	s24 =	smov.u32 s30;
	v21 =	vld [tilespmem:s0+$0x0];
	v19 =	vand.u32 $0xFFFFFE00, v19;
	[tilespmem:s26+$0x0] =	vst v15  }
0x1c4: {  	v15 =	vor.u32 v9, v19;
	v10 =	vld.idx.msk [tilespmem:v10+s23+$0x0], $0xffff;
	[tilespmem:s2+$0x0] =	vst v18  }
0x1c5: {  	v9 =	vor.u32 $0x80, v15;
	v18 =	vor.u32 $0x100, v15;
	v19 =	vor.u32 $0x180, v15;
	v12 =	vld.idx.msk [tilespmem:v12+s23+$0x0], $0xffff;
	[tilespmem:s16+$0x80] =	vst v13;
	s16 =	smov.u32 s31  }
0x1c6: {  	p1 =	por !p1, !p1;
	s0 =	simm.s32 $0x1;
	v13 =	vshll.u32 v16, $0x2;
	[tilespmem:s25+$0x80] =	vst v11;
	v22 =	vld.idx.msk [tilespmem:v5+s23+$0x0], $0xffff;
	v5 =	vmov v18  }
0x1c7: {  	s0 =	simm.s32 @!p1 $0x0;
	v16 =	vand.u32 $0x7F, v16;
	v11 =	vshll.u32 v17, $0x2;
	v13 =	vand.u32 $0xFFFFFE00, v13;
	v18 =	vld.idx.msk [tilespmem:v20+s23+$0x0], $0xffff;
	[tilespmem:s13+$0x15000] =	vst v14  }
0x1c8: {  	s0 =	sshll.u32 s0, $0x6;
	v11 =	vand.u32 $0xFFFFFE00, v11;
	v14 =	vshll.u32 v21, $0x2;
	v16 =	vor.u32 v16, v13;
	v20 =	vld.idx.msk [tilespmem:v3+s23+$0x0], $0xffff;
	v3 =	vmovc v8  }
0x1c9: {  	s0 =	sadd.s32 s0, s5;
	v8 =	vand.u32 $0x7F, v17;
	v13 =	vand.u32 $0xFFFFFE00, v14;
	v23 =	vld.idx.msk [tilespmem:v15+s23+$0x0], $0xffff;
	v15 =	vor.u32 $0x180, v0;
	v0 =	vmovc v16  }
0x1ca: {  	s12 =	sadd.s32 $0x10, s0;
	v24 =	vor.u32 v8, v11;
	v8 =	vand.u32 $0x7F, v21;
	[tilespmem:s26+$0x80] =	vst v10;
	v21 =	vld.idx.msk [tilespmem:v1+s23+$0x0], $0xffff;
	v1 =	vmovc v2;
	v2 =	vmov v19  }
0x1cb: {  	s25 =	sor.u32 $0x100, s12;
	v10 =	vor.u32 $0x80, v24;
	v25 =	vor.u32 v8, v13;
	s26 =	sadd.s32 $0x30, s0;
	v13 =	vld.idx.msk [tilespmem:v6+s23+$0x0], $0xffff;
	v6 =	vor.u32 $0x100, v24;
	[tilespmem:s2+$0x80] =	vst v12;
	s2 =	sadd.s32 $0x20, s0  }
.Ltmp8:
0x1cc: {  	v11 =	vor.u32 $0x180, v24;
	v12 =	vor.u32 $0x80, v25;
	s28 =	sor.u32 $0x100, s26;
	v14 =	vld.idx.msk [tilespmem:v7+s23+$0x0], $0xffff;
	v7 =	vor.u32 $0x100, v25;
	s30 =	sor.u32 $0x100, s2;
	[tilespmem:s10+$0x15000] =	vst v22;
	(pc) =	sbr.rel @p2 .LBB2_13-.Ltmp8, $4  }
0x1cd: {  	s13 =	sor.u32 $0x180, s12;
	v8 =	vor.u32 $0x180, v25;
	s10 =	sor.u32 $0x100, s0;
	s2 =	sor.u32 $0x180, s2;
	v17 =	vld.idx.msk [tilespmem:v16+s23+$0x0], $0xffff;
	[tilespmem:s28+$0x15000] =	vst v18  }
0x1ce: {  	s12 =	sor.u32 $0x180, s0;
	v16 =	vld.idx.msk [tilespmem:v15+s23+$0x0], $0xffff;
	[tilespmem:s1+$0x15000] =	vst v20;
	s1 =	smov.u32 s2  }
0x1cf: {  	s5 =	sadd.s32 $0x100, s5;
	v19 =	vor.u32 $0x80, v0;
	v15 =	vld.idx.msk [tilespmem:v24+s23+$0x0], $0xffff;
	[tilespmem:s16+$0x0] =	vst v23  }
0x1d0: {  	s14 =	sadd.s32 $0x40, s14;
	s31 =	sshra.s32 s5, $0x2;
	s28 =	sand.u32 $0x3E00, s5;
	v18 =	vld.idx.msk [tilespmem:v25+s23+$0x0], $0xffff;
	[tilespmem:s15+$0x15000] =	vst v21  }
0x1d1: {  	v20 =	vld [tilespmem:s31+$0x0];
	_ =	sdelay $0x4  }
0x1d2: {  	v21 =	vshll.u32 v20, $0x2  }
0x1d3: {  	v20 =	vand.u32 $0x7F, v20;
	v21 =	vand.u32 $0xFFFFFE00, v21  }
0x1d4: {  	v20 =	vor.u32 v20, v21;
	_ =	sdelay $0x3  }
0x1d5: {  	s0 =	sadd.s32 $0x15000, s28;
	[tilespmem:s25+$0x15000] =	vst v13  }
0x1d6: {  	[tilespmem:s30+$0x15000] =	vst v14;
	s2 =	sor.u32 s17, s0;
	v51 =	vld.idx.msk [tilespmem:v20+s23+$0x0], $0xffff  }
0x1d7: {  	v9 =	vld.idx.msk [tilespmem:v9+s23+$0x0], $0xffff;
	s14 =	sor.u32 $0x180, s26;
	[tilespmem:s2+$0x0] =	vst v17;
	v52 =	vor.u32 $0x80, v20  }
0x1d8: {  	v1 =	vld.idx.msk [tilespmem:v1+s23+$0x0], $0xffff;
	s11 =	sor.u32 s24, s0;
	[tilespmem:s14+$0x15000] =	vst v16  }
0x1d9: {  	s6 =	sor.u32 s6, s0;
	v17 =	vld.idx.msk [tilespmem:v19+s23+$0x0], $0xffff;
	[tilespmem:s11+$0x0] =	vst v18  }
0x1da: {  	v53 =	vor.u32 $0x100, v0;
	s0 =	sor.u32 s9, s0;
	[tilespmem:s6+$0x0] =	vst v15;
	v12 =	vld.idx.msk [tilespmem:v12+s23+$0x0], $0xffff  }
0x1db: {  	v10 =	vld.idx.msk [tilespmem:v10+s23+$0x0], $0xffff;
	[tilespmem:s0+$0x0] =	vst v51  }
0x1dc: {  	[tilespmem:s16+$0x80] =	vst v9;
	v54 =	vld.idx.msk [tilespmem:v52+s23+$0x0], $0xffff  }
0x1dd: {  	v4 =	vld.idx.msk [tilespmem:v4+s23+$0x0], $0xffff;
	[tilespmem:s3+$0x15000] =	vst v1;
	v55 =	vor.u32 $0x100, v20  }
0x1de: {  	p1 =	por !p1, !p1;
	v5 =	vld.idx.msk [tilespmem:v5+s23+$0x0], $0xffff;
	[tilespmem:s2+$0x80] =	vst v17;
	s2 =	simm.s32 $0x1  }
0x1df: {  	v56 =	vld.idx.msk [tilespmem:v53+s23+$0x0], $0xffff;
	s2 =	simm.s32 @!p1 $0x0;
	[tilespmem:s11+$0x80] =	vst v12  }
0x1e0: {  	v57 =	vor.u32 $0x180, v0;
	[tilespmem:s6+$0x80] =	vst v10;
	s2 =	sshll.u32 s2, $0x6;
	v58 =	vld.idx.msk [tilespmem:v7+s23+$0x0], $0xffff  }
0x1e1: {  	v6 =	vld.idx.msk [tilespmem:v6+s23+$0x0], $0xffff;
	s2 =	sadd.s32 s2, s5;
	[tilespmem:s0+$0x80] =	vst v54  }
0x1e2: {  	[tilespmem:s13+$0x15000] =	vst v4;
	s5 =	sadd.s32 $0x30, s2;
	v59 =	vld.idx.msk [tilespmem:v55+s23+$0x0], $0xffff  }
0x1e3: {  	v3 =	vld.idx.msk [tilespmem:v3+s23+$0x0], $0xffff;
	v60 =	vor.u32 $0x180, v20;
	[tilespmem:s10+$0x15000] =	vst v5;
	s16 =	sadd.s32 $0x20, s2;
	s15 =	sor.u32 $0x100, s5  }
0x1e4: {  	s14 =	sadd.s32 $0x10, s2;
	v2 =	vld.idx.msk [tilespmem:v2+s23+$0x0], $0xffff;
	s24 =	sor.u32 $0x100, s16;
	[tilespmem:s15+$0x15000] =	vst v56  }
0x1e5: {  	s17 =	sor.u32 $0x100, s14;
	v0 =	vld.idx.msk [tilespmem:v57+s23+$0x0], $0xffff;
	[tilespmem:s24+$0x15000] =	vst v58  }
0x1e6: {  	s25 =	sor.u32 $0x100, s2;
	[tilespmem:s17+$0x15000] =	vst v6;
	v62 =	vld.idx.msk [tilespmem:v8+s23+$0x0], $0xffff  }
0x1e7: {  	v61 =	vld.idx.msk [tilespmem:v11+s23+$0x0], $0xffff;
	[tilespmem:s25+$0x15000] =	vst v59  }
0x1e8: {  	[tilespmem:s1+$0x15000] =	vst v3;
	v63 =	vld.idx.msk [tilespmem:v60+s23+$0x0], $0xffff  }
0x1e9: {  	s26 =	sor.u32 $0x180, s5;
	[tilespmem:s12+$0x15000] =	vst v2  }
0x1ea: {  	s28 =	sor.u32 $0x180, s16;
	[tilespmem:s26+$0x15000] =	vst v0  }
0x1eb: {  	[tilespmem:s28+$0x15000] =	vst v62;
	s0 =	sor.u32 $0x180, s14  }
.Ltmp9:
0x1ec: {  	s30 =	sor.u32 $0x180, s2;
	[tilespmem:s0+$0x15000] =	vst v61;
	(pc) =	sbr.rel @p0 .LBB2_16-.Ltmp9, $4  }
0x1ed: {  	[tilespmem:s30+$0x15000] =	vst v63  }
0x1ee: {  	s0 =	rddreg [dreg:$0xe]  }
0x1ef: {  	s31 =	simm.s32 $0x15000;
	s0 =	sadd.s32 s8, s0  }
0x1f0: {  	[hbm4b:s0+s18] =	stream.strided.scatter [tilespmem:s31], [sflag:$0x6], $0x4000, s19, s18, $0x38;
	[tilespmem:$0x19000] =	vst v63  }
.Ltmp10:
0x1f1: {  	(pc) =	sbr.rel .LBB2_2-.Ltmp10, $4  }
0x1f2: {  	_ = 	snop  }
0x1f3: {  	s0 =	rddreg [dreg:$0xf]  }
0x1f4: {  	s4 =	sadd.s32 $0x1, s4;
	s0 =	sadd.s32 s7, s0  }
0x1f5: {  	[tilespmem:s23], [sflag:$0x4] =	stream.strided.gather [hbm4b:s0+s18], $0x4000, s19, s18, $0x38;
	[tilespmem:$0x19000] =	vst v63  }
.LBB2_17:
0x1f6: {  	_ =	sfence.sel $0x180000  }
0x1f7: {  	[bflag:$0x0] =	sbarrier.arrive $0xFFFF  }
0x1f8: {  	_ =	strace $0x90000047  }
0x1f9: {  	s0 =	stileid.u32;
	[bflag:$0x2] =	sbarrier.arrive $0xFFFF  }
0x1fa: {  	p0 =	sne.s32 s0, $0x0;
	s0 =	rddreg [dreg:$0x3]  }
0x1fb: {  	s0 =	sadd.s32 @!p0 $0x100000, s0  }
0x1fc: {  	[sflag:s0] =	ssyncadd.tile.s32 @!p0 $0x1;
	_ =	shalt  }
.Lfunc_end2:
_tile_overlayer_lowered:
.L_overlay_start_2:
0x1fd: {  	(tag) =	ssettag $0x2  }
0x1fe: {  	s0 =	rddreg [dreg:$0x0];
	s2 =	stileid.u32  }
0x1ff: {  	s1 =	rddreg [dreg:$0x1];
	p0 =	sne.s32 s2, $0x0  }
0x200: {  	s3 =	rddreg [dreg:$0x2];
	[bflag:$0x3] =	sbarrier.arrive $0xFFFF;
	s2 =	simm.s32 @!p0 $0x1C07  }
0x201: {  	[timem:s3], [sflag:s2] =	dma.local @!p0 [hbm:s0], s1  }
0x202: {  	s0 =	simm.s32 @!p0 $0x7  }
0x203: {  	_ =	swait.ge @!p0 [sflag:s0], s1  }
0x204: {  	s1 =	ssub.s32 @!p0 $0x0, s1;
	[sflag:s0] =	ssyncset.done @!p0 $0x0  }
0x205: {  	[sflag:s0] =	ssyncadd.s32 @!p0 s1  }
0x206: {  	[bflag:$0x3] =	sbarrier.arrive $0xFFFF  }
0x207: {  	_ =	shalt  }

</sc_bundles>
